<compile_context>
chip_gen: v7x
topology: tpu7x:2x2x1
jax: 0.10.2.dev20260603
libtpu: 0.0.44.dev20260713+nightly
codegen_flags: <defaults>
</compile_context>

<pallas_src>
import functools

import jax
import jax.numpy as jnp
from jax import lax
from jax.experimental import pallas as pl
from jax.experimental.pallas import tpu as pltpu
from jax.experimental.pallas import tpu_sc as plsc

NSEG = 1024
D = 128
NROWS = 100000
CHUNK = 128
NFULL = NROWS // CHUNK
TAIL = NROWS - NFULL * CHUNK
NCORES = 2
NSUB = 16
NW = NCORES * NSUB
BASE_SPAN = NFULL // NW
EXTRA = NFULL - BASE_SPAN * NW
MAX_SPAN = BASE_SPAN + 1
SEG_PER_SUB = NSEG // NSUB
NBUF = 4


def _sc_partials(H, idx1d, idx_tail):
    mesh = plsc.VectorSubcoreMesh(core_axis_name="c", subcore_axis_name="s")

    @functools.partial(
        pl.kernel,
        mesh=mesh,
        out_type=jax.ShapeDtypeStruct((NCORES, NSEG, D), jnp.float32),
        scratch_types=[
            pltpu.VMEM((NBUF, CHUNK, D), jnp.float32),
            pltpu.VMEM((NBUF, CHUNK), jnp.int32),
            pltpu.VMEM((TAIL, D), jnp.float32),
            pltpu.VMEM((TAIL,), jnp.int32),
            pltpu.VMEM_SHARED((NSEG, D), jnp.float32),
            pltpu.SemaphoreType.DMA((NBUF,)),
            pltpu.SemaphoreType.DMA((NBUF,)),
        ],
    )
    def k(h_hbm, idx_hbm, idxt_hbm, out_hbm,
          rows_v, idx_v, rows_t, idx_t, acc_sh, sem, sem_sc):
        c = lax.axis_index("c")
        s = lax.axis_index("s")
        t = s * NCORES + c

        zvec = jnp.zeros((16,), jnp.float32)

        def zrow(r, carry):
            for jj in range(D // 16):
                rows_v[0, r, pl.ds(jj * 16, 16)] = zvec
            return carry

        lax.fori_loop(0, SEG_PER_SUB, zrow, 0)
        pltpu.sync_copy(rows_v.at[0, pl.ds(0, SEG_PER_SUB)],
                        acc_sh.at[pl.ds(s * SEG_PER_SUB, SEG_PER_SUB)])

        start = t * BASE_SPAN + jnp.minimum(t, EXTRA)
        n_t = jnp.where(t < EXTRA, MAX_SPAN, BASE_SPAN)
        plsc.subcore_barrier()

        def issue(j, b):
            pltpu.async_copy(
                h_hbm.at[pl.ds((start + j) * CHUNK, CHUNK)],
                rows_v.at[b], sem.at[b])
            pltpu.async_copy(
                idx_hbm.at[pl.ds((start + j) * CHUNK, CHUNK)],
                idx_v.at[b], sem.at[b])

        def wait_scatter(b):
            pltpu.make_async_copy(
                h_hbm.at[pl.ds(0, CHUNK)], rows_v.at[b], sem_sc.at[b]).wait()

        issue(0, 0)
        issue(1, 1)

        def body(j, carry):
            b = lax.rem(j, NBUF)

            @pl.when(j + 2 < n_t)
            def _():
                issue(j + 2, lax.rem(j + 2, NBUF))

            pltpu.make_async_copy(
                h_hbm.at[pl.ds(0, CHUNK)], rows_v.at[b], sem.at[b]).wait()
            pltpu.make_async_copy(
                idx_hbm.at[pl.ds(0, CHUNK)], idx_v.at[b], sem.at[b]).wait()

            @pl.when(j >= 1)
            def _():
                wait_scatter(lax.rem(j - 1, NBUF))

            pltpu.async_copy(rows_v.at[b], acc_sh.at[idx_v.at[b]],
                             sem_sc.at[b], add=True)
            return carry

        lax.fori_loop(0, n_t, body, 0)
        wait_scatter(lax.rem(n_t - 1, NBUF))

        @pl.when(t == NW - 1)
        def _():
            base = NFULL * CHUNK
            pltpu.sync_copy(h_hbm.at[pl.ds(base, TAIL)], rows_t)
            pltpu.sync_copy(idxt_hbm, idx_t)
            pltpu.sync_copy(rows_t, acc_sh.at[idx_t], add=True)

        plsc.subcore_barrier()

        pltpu.sync_copy(acc_sh.at[pl.ds(s * SEG_PER_SUB, SEG_PER_SUB)],
                        out_hbm.at[c, pl.ds(s * SEG_PER_SUB, SEG_PER_SUB)])

    return k(H, idx1d, idx_tail)


def _combine(partials):
    def body(p_ref, o_ref):
        o_ref[...] = p_ref[0] + p_ref[1]

    return pl.pallas_call(
        body,
        out_shape=jax.ShapeDtypeStruct((NSEG, D), jnp.float32),
    )(partials)


def kernel(H, batch_idx):
    idx = batch_idx.astype(jnp.int32)
    idx_tail = idx[NFULL * CHUNK:]
    partials = _sc_partials(H, idx, idx_tail)
    return _combine(partials)

# --- scband reference (transcript-rebuilt; emitter-appended) ---
"""Pipeline reference for scband-sparse-sum-pooling-21449066676602 (READ-ONLY COPY).

The authoritative reference and input builder live on the scoring server;
editing this copy changes nothing except your own understanding.
"""

import jax, jax.numpy as jnp
import numpy as np

NUM_SEGMENTS = 1024

def setup_inputs(seed: int = 0) -> dict:
    key = jax.random.key(seed)
    k1, k2 = jax.random.split(key)
    H = jax.random.normal(k1, (100000, 128), dtype=jnp.float32)
    batch_idx = jnp.sort(jax.random.randint(k2, (100000,), 0, NUM_SEGMENTS, dtype=jnp.int64))
    return {"H": H, "batch_idx": batch_idx}

def reference(H, batch_idx):
    # scatter(H, index=batch_idx, dim=0, reduce='sum') == segment_sum over rows
    return jax.ops.segment_sum(H, batch_idx, num_segments=NUM_SEGMENTS)

if __name__ == "__main__":
    import jax
    _d = setup_inputs()
    print(jax.jit(kernel)(*tuple(_d.values())))

</pallas_src>

<mosaic_0001>
#map = affine_map<(d0, d1) -> (0, 0)>
#map1 = affine_map<(d0, d1) -> (0)>
#map2 = affine_map<(d0, d1) -> (0, 0, 0)>
module attributes {stable_mosaic.version = 14 : i64} {
  func.func @k(%arg0: i32, %arg1: i32, %arg2: memref<100000x128xf32, #tpu.memory_space<hbm>>, %arg3: memref<100000xi32, #tpu.memory_space<hbm>>, %arg4: memref<32xi32, #tpu.memory_space<hbm>>, %arg5: memref<2x1024x128xf32, #tpu.memory_space<hbm>>, %arg6: memref<4x128x128xf32, #tpu.memory_space<vmem>>, %arg7: memref<4x128xi32, #tpu.memory_space<vmem>>, %arg8: memref<32x128xf32, #tpu.memory_space<vmem>>, %arg9: memref<32xi32, #tpu.memory_space<vmem>>, %arg10: memref<1024x128xf32, #tpu.memory_space<vmem_shared>>, %arg11: memref<4x!tpu.dma_semaphore, #tpu.memory_space<semaphore_mem>>, %arg12: memref<4x!tpu.dma_semaphore, #tpu.memory_space<semaphore_mem>>) attributes {dimension_semantics = [#tpu.dimension_semantics<core_parallel>, #tpu.dimension_semantics<subcore_parallel>], iteration_bounds = array<i64: 2, 16>, scalar_prefetch = 0 : i64, scratch_operands = 7 : i64, tpu.core_type = #tpu.core_type<sc_vector_subcore>, window_params = [{transform_indices = #map}, {transform_indices = #map1}, {transform_indices = #map1}, {transform_indices = #map2}]} {
    %mul3A = arith.constant 2 : i32
    %mul3A_0 = arith.muli %arg1, %mul3A : i32
    %add3A = arith.addi %mul3A_0, %arg0 : i32
    %broadcast_in_dim3A = arith.constant 0.000000e+00 : f32
    %broadcast_in_dim3A_1 = vector.broadcast %broadcast_in_dim3A : f32 to vector<16xf32>
    %scan3A = arith.constant 0 : i32
    %scan3A_2 = arith.constant 0 : i32
    %scan3A_3 = arith.constant 64 : i32
    %scan3A_4 = arith.addi %scan3A_2, %scan3A_3 : i32
    %scan3A_5 = arith.constant 1 : i32
    scf.for %scan3A_119 = %scan3A_2 to %scan3A_4 step %scan3A_5  : i32 {
      %swap3A = arith.constant 0 : i32
      %swap3A_120 = arith.index_cast %swap3A : i32 to index
      %swap3A_121 = arith.index_cast %scan3A_119 : i32 to index
      %swap3A_122 = arith.constant 0 : index
      %swap3A_123 = tpu.vector_load %arg6[%swap3A_120, %swap3A_121, %swap3A_122] {strides = array<i32>} : memref<4x128x128xf32, #tpu.memory_space<vmem>>, vector<1x1x16xf32>,
      %swap3A_124 = vector.shape_cast %swap3A_123 : vector<1x1x16xf32> to vector<16xf32>
      %swap3A_125 = vector.shape_cast %broadcast_in_dim3A_1 : vector<16xf32> to vector<1x1x16xf32>
      tpu.vector_store %arg6[%swap3A_120, %swap3A_121, %swap3A_122], %swap3A_125 {strides = array<i32>} : memref<4x128x128xf32, #tpu.memory_space<vmem>>, vector<1x1x16xf32>,
      %swap3A_126 = arith.constant 0 : i32
      %swap3A_127 = arith.index_cast %swap3A_126 : i32 to index
      %swap3A_128 = arith.index_cast %scan3A_119 : i32 to index
      %swap3A_129 = arith.constant 16 : index
      %swap3A_130 = tpu.vector_load %arg6[%swap3A_127, %swap3A_128, %swap3A_129] {strides = array<i32>} : memref<4x128x128xf32, #tpu.memory_space<vmem>>, vector<1x1x16xf32>,
      %swap3A_131 = vector.shape_cast %swap3A_130 : vector<1x1x16xf32> to vector<16xf32>
      %swap3A_132 = vector.shape_cast %broadcast_in_dim3A_1 : vector<16xf32> to vector<1x1x16xf32>
      tpu.vector_store %arg6[%swap3A_127, %swap3A_128, %swap3A_129], %swap3A_132 {strides = array<i32>} : memref<4x128x128xf32, #tpu.memory_space<vmem>>, vector<1x1x16xf32>,
      %swap3A_133 = arith.constant 0 : i32
      %swap3A_134 = arith.index_cast %swap3A_133 : i32 to index
      %swap3A_135 = arith.index_cast %scan3A_119 : i32 to index
      %swap3A_136 = arith.constant 32 : index
      %swap3A_137 = tpu.vector_load %arg6[%swap3A_134, %swap3A_135, %swap3A_136] {strides = array<i32>} : memref<4x128x128xf32, #tpu.memory_space<vmem>>, vector<1x1x16xf32>,
      %swap3A_138 = vector.shape_cast %swap3A_137 : vector<1x1x16xf32> to vector<16xf32>
      %swap3A_139 = vector.shape_cast %broadcast_in_dim3A_1 : vector<16xf32> to vector<1x1x16xf32>
      tpu.vector_store %arg6[%swap3A_134, %swap3A_135, %swap3A_136], %swap3A_139 {strides = array<i32>} : memref<4x128x128xf32, #tpu.memory_space<vmem>>, vector<1x1x16xf32>,
      %swap3A_140 = arith.constant 0 : i32
      %swap3A_141 = arith.index_cast %swap3A_140 : i32 to index
      %swap3A_142 = arith.index_cast %scan3A_119 : i32 to index
      %swap3A_143 = arith.constant 48 : index
      %swap3A_144 = tpu.vector_load %arg6[%swap3A_141, %swap3A_142, %swap3A_143] {strides = array<i32>} : memref<4x128x128xf32, #tpu.memory_space<vmem>>, vector<1x1x16xf32>,
      %swap3A_145 = vector.shape_cast %swap3A_144 : vector<1x1x16xf32> to vector<16xf32>
      %swap3A_146 = vector.shape_cast %broadcast_in_dim3A_1 : vector<16xf32> to vector<1x1x16xf32>
      tpu.vector_store %arg6[%swap3A_141, %swap3A_142, %swap3A_143], %swap3A_146 {strides = array<i32>} : memref<4x128x128xf32, #tpu.memory_space<vmem>>, vector<1x1x16xf32>,
      %swap3A_147 = arith.constant 0 : i32
      %swap3A_148 = arith.index_cast %swap3A_147 : i32 to index
      %swap3A_149 = arith.index_cast %scan3A_119 : i32 to index
      %swap3A_150 = arith.constant 64 : index
      %swap3A_151 = tpu.vector_load %arg6[%swap3A_148, %swap3A_149, %swap3A_150] {strides = array<i32>} : memref<4x128x128xf32, #tpu.memory_space<vmem>>, vector<1x1x16xf32>,
      %swap3A_152 = vector.shape_cast %swap3A_151 : vector<1x1x16xf32> to vector<16xf32>
      %swap3A_153 = vector.shape_cast %broadcast_in_dim3A_1 : vector<16xf32> to vector<1x1x16xf32>
      tpu.vector_store %arg6[%swap3A_148, %swap3A_149, %swap3A_150], %swap3A_153 {strides = array<i32>} : memref<4x128x128xf32, #tpu.memory_space<vmem>>, vector<1x1x16xf32>,
      %swap3A_154 = arith.constant 0 : i32
      %swap3A_155 = arith.index_cast %swap3A_154 : i32 to index
      %swap3A_156 = arith.index_cast %scan3A_119 : i32 to index
      %swap3A_157 = arith.constant 80 : index
      %swap3A_158 = tpu.vector_load %arg6[%swap3A_155, %swap3A_156, %swap3A_157] {strides = array<i32>} : memref<4x128x128xf32, #tpu.memory_space<vmem>>, vector<1x1x16xf32>,
      %swap3A_159 = vector.shape_cast %swap3A_158 : vector<1x1x16xf32> to vector<16xf32>
      %swap3A_160 = vector.shape_cast %broadcast_in_dim3A_1 : vector<16xf32> to vector<1x1x16xf32>
      tpu.vector_store %arg6[%swap3A_155, %swap3A_156, %swap3A_157], %swap3A_160 {strides = array<i32>} : memref<4x128x128xf32, #tpu.memory_space<vmem>>, vector<1x1x16xf32>,
      %swap3A_161 = arith.constant 0 : i32
      %swap3A_162 = arith.index_cast %swap3A_161 : i32 to index
      %swap3A_163 = arith.index_cast %scan3A_119 : i32 to index
      %swap3A_164 = arith.constant 96 : index
      %swap3A_165 = tpu.vector_load %arg6[%swap3A_162, %swap3A_163, %swap3A_164] {strides = array<i32>} : memref<4x128x128xf32, #tpu.memory_space<vmem>>, vector<1x1x16xf32>,
      %swap3A_166 = vector.shape_cast %swap3A_165 : vector<1x1x16xf32> to vector<16xf32>
      %swap3A_167 = vector.shape_cast %broadcast_in_dim3A_1 : vector<16xf32> to vector<1x1x16xf32>
      tpu.vector_store %arg6[%swap3A_162, %swap3A_163, %swap3A_164], %swap3A_167 {strides = array<i32>} : memref<4x128x128xf32, #tpu.memory_space<vmem>>, vector<1x1x16xf32>,
      %swap3A_168 = arith.constant 0 : i32
      %swap3A_169 = arith.index_cast %swap3A_168 : i32 to index
      %swap3A_170 = arith.index_cast %scan3A_119 : i32 to index
      %swap3A_171 = arith.constant 112 : index
      %swap3A_172 = tpu.vector_load %arg6[%swap3A_169, %swap3A_170, %swap3A_171] {strides = array<i32>} : memref<4x128x128xf32, #tpu.memory_space<vmem>>, vector<1x1x16xf32>,
      %swap3A_173 = vector.shape_cast %swap3A_172 : vector<1x1x16xf32> to vector<16xf32>
      %swap3A_174 = vector.shape_cast %broadcast_in_dim3A_1 : vector<16xf32> to vector<1x1x16xf32>
      tpu.vector_store %arg6[%swap3A_169, %swap3A_170, %swap3A_171], %swap3A_174 {strides = array<i32>} : memref<4x128x128xf32, #tpu.memory_space<vmem>>, vector<1x1x16xf32>,
    }
    %scan3A_6 = arith.constant 64 : i32
    %mul3A_7 = arith.constant 64 : i32
    %mul3A_8 = arith.muli %arg1, %mul3A_7 : i32
    %run_scoped3A = arith.constant 0 : i32
    "tpu.region"() ({
      %run_scoped3A_119 = tpu.sem_alloc : memref<!tpu.dma_semaphore, #tpu.memory_space<semaphore_mem>>
      %dma_start3A_120 = arith.constant 0 : i32
      %dma_start3A_121 = arith.constant 0 : i32
      %dma_start3A_122 = tpu.memref_slice %arg6[%run_scoped3A, %dma_start3A_120, %dma_start3A_121] : memref<4x128x128xf32, #tpu.memory_space<vmem>> -> memref<1x64x128xf32, #tpu.memory_space<vmem>>
      %dma_start3A_123 = tpu.memref_squeeze %dma_start3A_122 : memref<1x64x128xf32, #tpu.memory_space<vmem>> -> memref<64x128xf32, #tpu.memory_space<vmem>>
      %dma_start3A_124 = arith.constant 0 : i32
      %dma_start3A_125 = tpu.memref_slice %arg10[%mul3A_8, %dma_start3A_124] : memref<1024x128xf32, #tpu.memory_space<vmem_shared>> -> memref<64x128xf32, #tpu.memory_space<vmem_shared>>
      %dma_start3A_126 = arith.constant 0 : i32
      %dma_start3A_127 = tpu.memref_slice %arg10[%mul3A_8, %dma_start3A_126] : memref<1024x128xf32, #tpu.memory_space<vmem_shared>> -> memref<64x128xf32, #tpu.memory_space<vmem_shared>>
      %dma_start3A_128 = arith.constant 0 : i32
      %dma_start3A_129 = arith.constant 0 : i32
      %dma_start3A_130 = tpu.memref_slice %arg6[%run_scoped3A, %dma_start3A_128, %dma_start3A_129] : memref<4x128x128xf32, #tpu.memory_space<vmem>> -> memref<1x64x128xf32, #tpu.memory_space<vmem>>
      %dma_start3A_131 = tpu.memref_squeeze %dma_start3A_130 : memref<1x64x128xf32, #tpu.memory_space<vmem>> -> memref<64x128xf32, #tpu.memory_space<vmem>>
      tpu.enqueue_dma source(%dma_start3A_131 : memref<64x128xf32, #tpu.memory_space<vmem>>) target(%dma_start3A_127 : memref<64x128xf32, #tpu.memory_space<vmem_shared>>) target_semaphore(%run_scoped3A_119 : memref<!tpu.dma_semaphore, #tpu.memory_space<semaphore_mem>>)
      %dma_wait3A_132 = arith.constant 0 : i32
      %dma_wait3A_133 = arith.constant 0 : i32
      %dma_wait3A_134 = tpu.memref_slice %arg6[%run_scoped3A, %dma_wait3A_132, %dma_wait3A_133] : memref<4x128x128xf32, #tpu.memory_space<vmem>> -> memref<1x64x128xf32, #tpu.memory_space<vmem>>
      %dma_wait3A_135 = tpu.memref_squeeze %dma_wait3A_134 : memref<1x64x128xf32, #tpu.memory_space<vmem>> -> memref<64x128xf32, #tpu.memory_space<vmem>>
      %dma_wait3A_136 = arith.constant 0 : i32
      %dma_wait3A_137 = tpu.memref_slice %arg10[%mul3A_8, %dma_wait3A_136] : memref<1024x128xf32, #tpu.memory_space<vmem_shared>> -> memref<64x128xf32, #tpu.memory_space<vmem_shared>>
      %dma_wait3A_138 = arith.constant 0 : i32
      %dma_wait3A_139 = tpu.memref_slice %arg10[%mul3A_8, %dma_wait3A_138] : memref<1024x128xf32, #tpu.memory_space<vmem_shared>> -> memref<64x128xf32, #tpu.memory_space<vmem_shared>>
      %dma_wait3A_140 = arith.constant 0 : i32
      %dma_wait3A_141 = arith.constant 0 : i32
      %dma_wait3A_142 = tpu.memref_slice %arg6[%run_scoped3A, %dma_wait3A_140, %dma_wait3A_141] : memref<4x128x128xf32, #tpu.memory_space<vmem>> -> memref<1x64x128xf32, #tpu.memory_space<vmem>>
      %dma_wait3A_143 = tpu.memref_squeeze %dma_wait3A_142 : memref<1x64x128xf32, #tpu.memory_space<vmem>> -> memref<64x128xf32, #tpu.memory_space<vmem>>
      tpu.wait_dma2 semaphore(%run_scoped3A_119 : memref<!tpu.dma_semaphore, #tpu.memory_space<semaphore_mem>>) src(%dma_wait3A_143 : memref<64x128xf32, #tpu.memory_space<vmem>>) dst(%dma_wait3A_139 : memref<64x128xf32, #tpu.memory_space<vmem_shared>>)
      tpu.yield
    }) : () -> ()
    %mul3A_9 = arith.constant 24 : i32
    %mul3A_10 = arith.muli %add3A, %mul3A_9 : i32
    %min3A = arith.constant 13 : i32
    %min3A_11 = arith.minsi %add3A, %min3A : i32
    %add3A_12 = arith.addi %mul3A_10, %min3A_11 : i32
    %lt3A = arith.constant 13 : i32
    %lt3A_13 = arith.cmpi slt, %add3A, %lt3A : i32
    %jit3A = arith.constant 25 : i32
    %jit3A_14 = arith.constant 24 : i32
    %select_n3A = arith.select %lt3A_13, %jit3A, %jit3A_14 : i32
    %barrier3A = arith.constant 0 : index
    tpu.barrier barrier_id(%barrier3A)
    %add3A_15 = arith.constant 0 : i32
    %add3A_16 = arith.addi %add3A_12, %add3A_15 : i32
    %mul3A_17 = arith.constant 128 : i32
    %mul3A_18 = arith.muli %add3A_16, %mul3A_17 : i32
    %dma_start3A = arith.constant 0 : i32
    %dma_start3A_19 = arith.constant 0 : i32
    %dma_start3A_20 = arith.constant 0 : i32
    %dma_start3A_21 = arith.constant 0 : i32
    %dma_start3A_22 = tpu.memref_slice %arg6[%dma_start3A, %dma_start3A_20, %dma_start3A_21] : memref<4x128x128xf32, #tpu.memory_space<vmem>> -> memref<1x128x128xf32, #tpu.memory_space<vmem>>
    %dma_start3A_23 = tpu.memref_squeeze %dma_start3A_22 : memref<1x128x128xf32, #tpu.memory_space<vmem>> -> memref<128x128xf32, #tpu.memory_space<vmem>>
    %dma_start3A_24 = arith.constant 0 : i32
    %dma_start3A_25 = tpu.memref_slice %arg2[%mul3A_18, %dma_start3A_24] : memref<100000x128xf32, #tpu.memory_space<hbm>> -> memref<128x128xf32, #tpu.memory_space<hbm>>
    %dma_start3A_26 = tpu.memref_slice %arg11[%dma_start3A_19] : memref<4x!tpu.dma_semaphore, #tpu.memory_space<semaphore_mem>> -> memref<1x!tpu.dma_semaphore, #tpu.memory_space<semaphore_mem>>
    %dma_start3A_27 = tpu.memref_squeeze %dma_start3A_26 : memref<1x!tpu.dma_semaphore, #tpu.memory_space<semaphore_mem>> -> memref<!tpu.dma_semaphore, #tpu.memory_space<semaphore_mem>>
    %dma_start3A_28 = arith.constant 0 : i32
    %dma_start3A_29 = arith.constant 0 : i32
    %dma_start3A_30 = tpu.memref_slice %arg6[%dma_start3A, %dma_start3A_28, %dma_start3A_29] : memref<4x128x128xf32, #tpu.memory_space<vmem>> -> memref<1x128x128xf32, #tpu.memory_space<vmem>>
    %dma_start3A_31 = tpu.memref_squeeze %dma_start3A_30 : memref<1x128x128xf32, #tpu.memory_space<vmem>> -> memref<128x128xf32, #tpu.memory_space<vmem>>
    %dma_start3A_32 = arith.constant 0 : i32
    %dma_start3A_33 = tpu.memref_slice %arg2[%mul3A_18, %dma_start3A_32] : memref<100000x128xf32, #tpu.memory_space<hbm>> -> memref<128x128xf32, #tpu.memory_space<hbm>>
    tpu.enqueue_dma source(%dma_start3A_33 : memref<128x128xf32, #tpu.memory_space<hbm>>) target(%dma_start3A_31 : memref<128x128xf32, #tpu.memory_space<vmem>>) target_semaphore(%dma_start3A_27 : memref<!tpu.dma_semaphore, #tpu.memory_space<semaphore_mem>>)
    %add3A_34 = arith.constant 0 : i32
    %add3A_35 = arith.addi %add3A_12, %add3A_34 : i32
    %mul3A_36 = arith.constant 128 : i32
    %mul3A_37 = arith.muli %add3A_35, %mul3A_36 : i32
    %dma_start3A_38 = arith.constant 0 : i32
    %dma_start3A_39 = arith.constant 0 : i32
    %dma_start3A_40 = arith.constant 0 : i32
    %dma_start3A_41 = tpu.memref_slice %arg7[%dma_start3A_38, %dma_start3A_40] : memref<4x128xi32, #tpu.memory_space<vmem>> -> memref<1x128xi32, #tpu.memory_space<vmem>>
    %dma_start3A_42 = tpu.memref_squeeze %dma_start3A_41 : memref<1x128xi32, #tpu.memory_space<vmem>> -> memref<128xi32, #tpu.memory_space<vmem>>
    %dma_start3A_43 = tpu.memref_slice %arg3[%mul3A_37] : memref<100000xi32, #tpu.memory_space<hbm>> -> memref<128xi32, #tpu.memory_space<hbm>>
    %dma_start3A_44 = tpu.memref_slice %arg11[%dma_start3A_39] : memref<4x!tpu.dma_semaphore, #tpu.memory_space<semaphore_mem>> -> memref<1x!tpu.dma_semaphore, #tpu.memory_space<semaphore_mem>>
    %dma_start3A_45 = tpu.memref_squeeze %dma_start3A_44 : memref<1x!tpu.dma_semaphore, #tpu.memory_space<semaphore_mem>> -> memref<!tpu.dma_semaphore, #tpu.memory_space<semaphore_mem>>
    %dma_start3A_46 = arith.constant 0 : i32
    %dma_start3A_47 = tpu.memref_slice %arg7[%dma_start3A_38, %dma_start3A_46] : memref<4x128xi32, #tpu.memory_space<vmem>> -> memref<1x128xi32, #tpu.memory_space<vmem>>
    %dma_start3A_48 = tpu.memref_squeeze %dma_start3A_47 : memref<1x128xi32, #tpu.memory_space<vmem>> -> memref<128xi32, #tpu.memory_space<vmem>>
    %dma_start3A_49 = tpu.memref_slice %arg3[%mul3A_37] : memref<100000xi32, #tpu.memory_space<hbm>> -> memref<128xi32, #tpu.memory_space<hbm>>
    tpu.enqueue_dma source(%dma_start3A_49 : memref<128xi32, #tpu.memory_space<hbm>>) target(%dma_start3A_48 : memref<128xi32, #tpu.memory_space<vmem>>) target_semaphore(%dma_start3A_45 : memref<!tpu.dma_semaphore, #tpu.memory_space<semaphore_mem>>)
    %add3A_50 = arith.constant 1 : i32
    %add3A_51 = arith.addi %add3A_12, %add3A_50 : i32
    %mul3A_52 = arith.constant 128 : i32
    %mul3A_53 = arith.muli %add3A_51, %mul3A_52 : i32
    %dma_start3A_54 = arith.constant 1 : i32
    %dma_start3A_55 = arith.constant 1 : i32
    %dma_start3A_56 = arith.constant 0 : i32
    %dma_start3A_57 = arith.constant 0 : i32
    %dma_start3A_58 = tpu.memref_slice %arg6[%dma_start3A_54, %dma_start3A_56, %dma_start3A_57] : memref<4x128x128xf32, #tpu.memory_space<vmem>> -> memref<1x128x128xf32, #tpu.memory_space<vmem>>
    %dma_start3A_59 = tpu.memref_squeeze %dma_start3A_58 : memref<1x128x128xf32, #tpu.memory_space<vmem>> -> memref<128x128xf32, #tpu.memory_space<vmem>>
    %dma_start3A_60 = arith.constant 0 : i32
    %dma_start3A_61 = tpu.memref_slice %arg2[%mul3A_53, %dma_start3A_60] : memref<100000x128xf32, #tpu.memory_space<hbm>> -> memref<128x128xf32, #tpu.memory_space<hbm>>
    %dma_start3A_62 = tpu.memref_slice %arg11[%dma_start3A_55] : memref<4x!tpu.dma_semaphore, #tpu.memory_space<semaphore_mem>> -> memref<1x!tpu.dma_semaphore, #tpu.memory_space<semaphore_mem>>
    %dma_start3A_63 = tpu.memref_squeeze %dma_start3A_62 : memref<1x!tpu.dma_semaphore, #tpu.memory_space<semaphore_mem>> -> memref<!tpu.dma_semaphore, #tpu.memory_space<semaphore_mem>>
    %dma_start3A_64 = arith.constant 0 : i32
    %dma_start3A_65 = arith.constant 0 : i32
    %dma_start3A_66 = tpu.memref_slice %arg6[%dma_start3A_54, %dma_start3A_64, %dma_start3A_65] : memref<4x128x128xf32, #tpu.memory_space<vmem>> -> memref<1x128x128xf32, #tpu.memory_space<vmem>>
    %dma_start3A_67 = tpu.memref_squeeze %dma_start3A_66 : memref<1x128x128xf32, #tpu.memory_space<vmem>> -> memref<128x128xf32, #tpu.memory_space<vmem>>
    %dma_start3A_68 = arith.constant 0 : i32
    %dma_start3A_69 = tpu.memref_slice %arg2[%mul3A_53, %dma_start3A_68] : memref<100000x128xf32, #tpu.memory_space<hbm>> -> memref<128x128xf32, #tpu.memory_space<hbm>>
    tpu.enqueue_dma source(%dma_start3A_69 : memref<128x128xf32, #tpu.memory_space<hbm>>) target(%dma_start3A_67 : memref<128x128xf32, #tpu.memory_space<vmem>>) target_semaphore(%dma_start3A_63 : memref<!tpu.dma_semaphore, #tpu.memory_space<semaphore_mem>>)
    %add3A_70 = arith.constant 1 : i32
    %add3A_71 = arith.addi %add3A_12, %add3A_70 : i32
    %mul3A_72 = arith.constant 128 : i32
    %mul3A_73 = arith.muli %add3A_71, %mul3A_72 : i32
    %dma_start3A_74 = arith.constant 1 : i32
    %dma_start3A_75 = arith.constant 1 : i32
    %dma_start3A_76 = arith.constant 0 : i32
    %dma_start3A_77 = tpu.memref_slice %arg7[%dma_start3A_74, %dma_start3A_76] : memref<4x128xi32, #tpu.memory_space<vmem>> -> memref<1x128xi32, #tpu.memory_space<vmem>>
    %dma_start3A_78 = tpu.memref_squeeze %dma_start3A_77 : memref<1x128xi32, #tpu.memory_space<vmem>> -> memref<128xi32, #tpu.memory_space<vmem>>
    %dma_start3A_79 = tpu.memref_slice %arg3[%mul3A_73] : memref<100000xi32, #tpu.memory_space<hbm>> -> memref<128xi32, #tpu.memory_space<hbm>>
    %dma_start3A_80 = tpu.memref_slice %arg11[%dma_start3A_75] : memref<4x!tpu.dma_semaphore, #tpu.memory_space<semaphore_mem>> -> memref<1x!tpu.dma_semaphore, #tpu.memory_space<semaphore_mem>>
    %dma_start3A_81 = tpu.memref_squeeze %dma_start3A_80 : memref<1x!tpu.dma_semaphore, #tpu.memory_space<semaphore_mem>> -> memref<!tpu.dma_semaphore, #tpu.memory_space<semaphore_mem>>
    %dma_start3A_82 = arith.constant 0 : i32
    %dma_start3A_83 = tpu.memref_slice %arg7[%dma_start3A_74, %dma_start3A_82] : memref<4x128xi32, #tpu.memory_space<vmem>> -> memref<1x128xi32, #tpu.memory_space<vmem>>
    %dma_start3A_84 = tpu.memref_squeeze %dma_start3A_83 : memref<1x128xi32, #tpu.memory_space<vmem>> -> memref<128xi32, #tpu.memory_space<vmem>>
    %dma_start3A_85 = tpu.memref_slice %arg3[%mul3A_73] : memref<100000xi32, #tpu.memory_space<hbm>> -> memref<128xi32, #tpu.memory_space<hbm>>
    tpu.enqueue_dma source(%dma_start3A_85 : memref<128xi32, #tpu.memory_space<hbm>>) target(%dma_start3A_84 : memref<128xi32, #tpu.memory_space<vmem>>) target_semaphore(%dma_start3A_81 : memref<!tpu.dma_semaphore, #tpu.memory_space<semaphore_mem>>)
    %while3A = arith.constant 0 : i32
    %while3A_86 = arith.constant 0 : i32
    %while3A_87 = arith.subi %select_n3A, %while3A_86 : i32
    %while3A_88 = arith.addi %while3A_86, %while3A_87 : i32
    %while3A_89 = arith.constant 1 : i32
    %while3A_90 = arith.divsi %while3A_87, %while3A_89 : i32
    %while3A_91 = arith.muli %while3A_90, %while3A_89 : i32
    %while3A_92 = arith.addi %while3A_86, %while3A_91 : i32
    %while3A_93 = arith.constant 1 : i32
    scf.for %while3A_119 = %while3A_86 to %while3A_92 step %while3A_93  : i32 {
      %rem3A_120 = arith.constant 4 : i32
      %rem3A_121 = arith.remsi %while3A_119, %rem3A_120 : i32
      %add3A_122 = arith.constant 2 : i32
      %add3A_123 = arith.addi %while3A_119, %add3A_122 : i32
      %lt3A_124 = arith.cmpi slt, %add3A_123, %select_n3A : i32
      %convert_element_type3A_125 = arith.extui %lt3A_124 : i1 to i32
      %cond3A_126 = arith.constant 0 : i32
      %cond3A_127 = arith.cmpi ne, %convert_element_type3A_125, %cond3A_126 : i32
      scf.if %cond3A_127 {
        %add3A_172 = arith.constant 2 : i32
        %add3A_173 = arith.addi %while3A_119, %add3A_172 : i32
        %add3A_174 = arith.constant 2 : i32
        %add3A_175 = arith.addi %while3A_119, %add3A_174 : i32
        %rem3A_176 = arith.constant 4 : i32
        %rem3A_177 = arith.remsi %add3A_175, %rem3A_176 : i32
        %add3A_178 = arith.addi %add3A_12, %add3A_173 : i32
        %mul3A_179 = arith.constant 128 : i32
        %mul3A_180 = arith.muli %add3A_178, %mul3A_179 : i32
        %dma_start3A_181 = arith.constant 0 : i32
        %dma_start3A_182 = arith.constant 0 : i32
        %dma_start3A_183 = tpu.memref_slice %arg6[%rem3A_177, %dma_start3A_181, %dma_start3A_182] : memref<4x128x128xf32, #tpu.memory_space<vmem>> -> memref<1x128x128xf32, #tpu.memory_space<vmem>>
        %dma_start3A_184 = tpu.memref_squeeze %dma_start3A_183 : memref<1x128x128xf32, #tpu.memory_space<vmem>> -> memref<128x128xf32, #tpu.memory_space<vmem>>
        %dma_start3A_185 = arith.constant 0 : i32
        %dma_start3A_186 = tpu.memref_slice %arg2[%mul3A_180, %dma_start3A_185] : memref<100000x128xf32, #tpu.memory_space<hbm>> -> memref<128x128xf32, #tpu.memory_space<hbm>>
        %dma_start3A_187 = tpu.memref_slice %arg11[%rem3A_177] : memref<4x!tpu.dma_semaphore, #tpu.memory_space<semaphore_mem>> -> memref<1x!tpu.dma_semaphore, #tpu.memory_space<semaphore_mem>>
        %dma_start3A_188 = tpu.memref_squeeze %dma_start3A_187 : memref<1x!tpu.dma_semaphore, #tpu.memory_space<semaphore_mem>> -> memref<!tpu.dma_semaphore, #tpu.memory_space<semaphore_mem>>
        %dma_start3A_189 = arith.constant 0 : i32
        %dma_start3A_190 = arith.constant 0 : i32
        %dma_start3A_191 = tpu.memref_slice %arg6[%rem3A_177, %dma_start3A_189, %dma_start3A_190] : memref<4x128x128xf32, #tpu.memory_space<vmem>> -> memref<1x128x128xf32, #tpu.memory_space<vmem>>
        %dma_start3A_192 = tpu.memref_squeeze %dma_start3A_191 : memref<1x128x128xf32, #tpu.memory_space<vmem>> -> memref<128x128xf32, #tpu.memory_space<vmem>>
        %dma_start3A_193 = arith.constant 0 : i32
        %dma_start3A_194 = tpu.memref_slice %arg2[%mul3A_180, %dma_start3A_193] : memref<100000x128xf32, #tpu.memory_space<hbm>> -> memref<128x128xf32, #tpu.memory_space<hbm>>
        tpu.enqueue_dma source(%dma_start3A_194 : memref<128x128xf32, #tpu.memory_space<hbm>>) target(%dma_start3A_192 : memref<128x128xf32, #tpu.memory_space<vmem>>) target_semaphore(%dma_start3A_188 : memref<!tpu.dma_semaphore, #tpu.memory_space<semaphore_mem>>)
        %add3A_195 = arith.addi %add3A_12, %add3A_173 : i32
        %mul3A_196 = arith.constant 128 : i32
        %mul3A_197 = arith.muli %add3A_195, %mul3A_196 : i32
        %dma_start3A_198 = arith.constant 0 : i32
        %dma_start3A_199 = tpu.memref_slice %arg7[%rem3A_177, %dma_start3A_198] : memref<4x128xi32, #tpu.memory_space<vmem>> -> memref<1x128xi32, #tpu.memory_space<vmem>>
        %dma_start3A_200 = tpu.memref_squeeze %dma_start3A_199 : memref<1x128xi32, #tpu.memory_space<vmem>> -> memref<128xi32, #tpu.memory_space<vmem>>
        %dma_start3A_201 = tpu.memref_slice %arg3[%mul3A_197] : memref<100000xi32, #tpu.memory_space<hbm>> -> memref<128xi32, #tpu.memory_space<hbm>>
        %dma_start3A_202 = tpu.memref_slice %arg11[%rem3A_177] : memref<4x!tpu.dma_semaphore, #tpu.memory_space<semaphore_mem>> -> memref<1x!tpu.dma_semaphore, #tpu.memory_space<semaphore_mem>>
        %dma_start3A_203 = tpu.memref_squeeze %dma_start3A_202 : memref<1x!tpu.dma_semaphore, #tpu.memory_space<semaphore_mem>> -> memref<!tpu.dma_semaphore, #tpu.memory_space<semaphore_mem>>
        %dma_start3A_204 = arith.constant 0 : i32
        %dma_start3A_205 = tpu.memref_slice %arg7[%rem3A_177, %dma_start3A_204] : memref<4x128xi32, #tpu.memory_space<vmem>> -> memref<1x128xi32, #tpu.memory_space<vmem>>
        %dma_start3A_206 = tpu.memref_squeeze %dma_start3A_205 : memref<1x128xi32, #tpu.memory_space<vmem>> -> memref<128xi32, #tpu.memory_space<vmem>>
        %dma_start3A_207 = tpu.memref_slice %arg3[%mul3A_197] : memref<100000xi32, #tpu.memory_space<hbm>> -> memref<128xi32, #tpu.memory_space<hbm>>
        tpu.enqueue_dma source(%dma_start3A_207 : memref<128xi32, #tpu.memory_space<hbm>>) target(%dma_start3A_206 : memref<128xi32, #tpu.memory_space<vmem>>) target_semaphore(%dma_start3A_203 : memref<!tpu.dma_semaphore, #tpu.memory_space<semaphore_mem>>)
      } else {
      }
      %dma_wait3A_128 = arith.constant 0 : i32
      %dma_wait3A_129 = arith.constant 0 : i32
      %dma_wait3A_130 = tpu.memref_slice %arg6[%rem3A_121, %dma_wait3A_128, %dma_wait3A_129] : memref<4x128x128xf32, #tpu.memory_space<vmem>> -> memref<1x128x128xf32, #tpu.memory_space<vmem>>
      %dma_wait3A_131 = tpu.memref_squeeze %dma_wait3A_130 : memref<1x128x128xf32, #tpu.memory_space<vmem>> -> memref<128x128xf32, #tpu.memory_space<vmem>>
      %dma_wait3A_132 = arith.constant 0 : i32
      %dma_wait3A_133 = arith.constant 0 : i32
      %dma_wait3A_134 = tpu.memref_slice %arg2[%dma_wait3A_132, %dma_wait3A_133] : memref<100000x128xf32, #tpu.memory_space<hbm>> -> memref<128x128xf32, #tpu.memory_space<hbm>>
      %dma_wait3A_135 = tpu.memref_slice %arg11[%rem3A_121] : memref<4x!tpu.dma_semaphore, #tpu.memory_space<semaphore_mem>> -> memref<1x!tpu.dma_semaphore, #tpu.memory_space<semaphore_mem>>
      %dma_wait3A_136 = tpu.memref_squeeze %dma_wait3A_135 : memref<1x!tpu.dma_semaphore, #tpu.memory_space<semaphore_mem>> -> memref<!tpu.dma_semaphore, #tpu.memory_space<semaphore_mem>>
      %dma_wait3A_137 = arith.constant 0 : i32
      %dma_wait3A_138 = arith.constant 0 : i32
      %dma_wait3A_139 = tpu.memref_slice %arg6[%rem3A_121, %dma_wait3A_137, %dma_wait3A_138] : memref<4x128x128xf32, #tpu.memory_space<vmem>> -> memref<1x128x128xf32, #tpu.memory_space<vmem>>
      %dma_wait3A_140 = tpu.memref_squeeze %dma_wait3A_139 : memref<1x128x128xf32, #tpu.memory_space<vmem>> -> memref<128x128xf32, #tpu.memory_space<vmem>>
      %dma_wait3A_141 = arith.constant 0 : i32
      %dma_wait3A_142 = arith.constant 0 : i32
      %dma_wait3A_143 = tpu.memref_slice %arg2[%dma_wait3A_141, %dma_wait3A_142] : memref<100000x128xf32, #tpu.memory_space<hbm>> -> memref<128x128xf32, #tpu.memory_space<hbm>>
      tpu.wait_dma2 semaphore(%dma_wait3A_136 : memref<!tpu.dma_semaphore, #tpu.memory_space<semaphore_mem>>) src(%dma_wait3A_143 : memref<128x128xf32, #tpu.memory_space<hbm>>) dst(%dma_wait3A_140 : memref<128x128xf32, #tpu.memory_space<vmem>>)
      %dma_wait3A_144 = arith.constant 0 : i32
      %dma_wait3A_145 = tpu.memref_slice %arg7[%rem3A_121, %dma_wait3A_144] : memref<4x128xi32, #tpu.memory_space<vmem>> -> memref<1x128xi32, #tpu.memory_space<vmem>>
      %dma_wait3A_146 = tpu.memref_squeeze %dma_wait3A_145 : memref<1x128xi32, #tpu.memory_space<vmem>> -> memref<128xi32, #tpu.memory_space<vmem>>
      %dma_wait3A_147 = arith.constant 0 : i32
      %dma_wait3A_148 = tpu.memref_slice %arg3[%dma_wait3A_147] : memref<100000xi32, #tpu.memory_space<hbm>> -> memref<128xi32, #tpu.memory_space<hbm>>
      %dma_wait3A_149 = tpu.memref_slice %arg11[%rem3A_121] : memref<4x!tpu.dma_semaphore, #tpu.memory_space<semaphore_mem>> -> memref<1x!tpu.dma_semaphore, #tpu.memory_space<semaphore_mem>>
      %dma_wait3A_150 = tpu.memref_squeeze %dma_wait3A_149 : memref<1x!tpu.dma_semaphore, #tpu.memory_space<semaphore_mem>> -> memref<!tpu.dma_semaphore, #tpu.memory_space<semaphore_mem>>
      %dma_wait3A_151 = arith.constant 0 : i32
      %dma_wait3A_152 = tpu.memref_slice %arg7[%rem3A_121, %dma_wait3A_151] : memref<4x128xi32, #tpu.memory_space<vmem>> -> memref<1x128xi32, #tpu.memory_space<vmem>>
      %dma_wait3A_153 = tpu.memref_squeeze %dma_wait3A_152 : memref<1x128xi32, #tpu.memory_space<vmem>> -> memref<128xi32, #tpu.memory_space<vmem>>
      %dma_wait3A_154 = arith.constant 0 : i32
      %dma_wait3A_155 = tpu.memref_slice %arg3[%dma_wait3A_154] : memref<100000xi32, #tpu.memory_space<hbm>> -> memref<128xi32, #tpu.memory_space<hbm>>
      tpu.wait_dma2 semaphore(%dma_wait3A_150 : memref<!tpu.dma_semaphore, #tpu.memory_space<semaphore_mem>>) src(%dma_wait3A_155 : memref<128xi32, #tpu.memory_space<hbm>>) dst(%dma_wait3A_153 : memref<128xi32, #tpu.memory_space<vmem>>)
      %ge3A = arith.constant 1 : i32
      %ge3A_156 = arith.cmpi sge, %while3A_119, %ge3A : i32
      %convert_element_type3A_157 = arith.extui %ge3A_156 : i1 to i32
      %cond3A_158 = arith.constant 0 : i32
      %cond3A_159 = arith.cmpi ne, %convert_element_type3A_157, %cond3A_158 : i32
      scf.if %cond3A_159 {
        %sub3A_172 = arith.constant 1 : i32
        %sub3A_173 = arith.subi %while3A_119, %sub3A_172 : i32
        %rem3A_174 = arith.constant 4 : i32
        %rem3A_175 = arith.remsi %sub3A_173, %rem3A_174 : i32
        %dma_wait3A_176 = arith.constant 0 : i32
        %dma_wait3A_177 = arith.constant 0 : i32
        %dma_wait3A_178 = tpu.memref_slice %arg6[%rem3A_175, %dma_wait3A_176, %dma_wait3A_177] : memref<4x128x128xf32, #tpu.memory_space<vmem>> -> memref<1x128x128xf32, #tpu.memory_space<vmem>>
        %dma_wait3A_179 = tpu.memref_squeeze %dma_wait3A_178 : memref<1x128x128xf32, #tpu.memory_space<vmem>> -> memref<128x128xf32, #tpu.memory_space<vmem>>
        %dma_wait3A_180 = arith.constant 0 : i32
        %dma_wait3A_181 = arith.constant 0 : i32
        %dma_wait3A_182 = tpu.memref_slice %arg2[%dma_wait3A_180, %dma_wait3A_181] : memref<100000x128xf32, #tpu.memory_space<hbm>> -> memref<128x128xf32, #tpu.memory_space<hbm>>
        %dma_wait3A_183 = tpu.memref_slice %arg12[%rem3A_175] : memref<4x!tpu.dma_semaphore, #tpu.memory_space<semaphore_mem>> -> memref<1x!tpu.dma_semaphore, #tpu.memory_space<semaphore_mem>>
        %dma_wait3A_184 = tpu.memref_squeeze %dma_wait3A_183 : memref<1x!tpu.dma_semaphore, #tpu.memory_space<semaphore_mem>> -> memref<!tpu.dma_semaphore, #tpu.memory_space<semaphore_mem>>
        %dma_wait3A_185 = arith.constant 0 : i32
        %dma_wait3A_186 = arith.constant 0 : i32
        %dma_wait3A_187 = tpu.memref_slice %arg6[%rem3A_175, %dma_wait3A_185, %dma_wait3A_186] : memref<4x128x128xf32, #tpu.memory_space<vmem>> -> memref<1x128x128xf32, #tpu.memory_space<vmem>>
        %dma_wait3A_188 = tpu.memref_squeeze %dma_wait3A_187 : memref<1x128x128xf32, #tpu.memory_space<vmem>> -> memref<128x128xf32, #tpu.memory_space<vmem>>
        %dma_wait3A_189 = arith.constant 0 : i32
        %dma_wait3A_190 = arith.constant 0 : i32
        %dma_wait3A_191 = tpu.memref_slice %arg2[%dma_wait3A_189, %dma_wait3A_190] : memref<100000x128xf32, #tpu.memory_space<hbm>> -> memref<128x128xf32, #tpu.memory_space<hbm>>
        tpu.wait_dma2 semaphore(%dma_wait3A_184 : memref<!tpu.dma_semaphore, #tpu.memory_space<semaphore_mem>>) src(%dma_wait3A_191 : memref<128x128xf32, #tpu.memory_space<hbm>>) dst(%dma_wait3A_188 : memref<128x128xf32, #tpu.memory_space<vmem>>)
      } else {
      }
      %dma_start3A_160 = arith.constant 0 : i32
      %dma_start3A_161 = arith.constant 0 : i32
      %dma_start3A_162 = tpu.memref_slice %arg6[%rem3A_121, %dma_start3A_160, %dma_start3A_161] : memref<4x128x128xf32, #tpu.memory_space<vmem>> -> memref<1x128x128xf32, #tpu.memory_space<vmem>>
      %dma_start3A_163 = tpu.memref_squeeze %dma_start3A_162 : memref<1x128x128xf32, #tpu.memory_space<vmem>> -> memref<128x128xf32, #tpu.memory_space<vmem>>
      %dma_start3A_164 = arith.constant 0 : i32
      %dma_start3A_165 = tpu.memref_slice %arg7[%rem3A_121, %dma_start3A_164] : memref<4x128xi32, #tpu.memory_space<vmem>> -> memref<1x128xi32, #tpu.memory_space<vmem>>
      %dma_start3A_166 = tpu.memref_squeeze %dma_start3A_165 : memref<1x128xi32, #tpu.memory_space<vmem>> -> memref<128xi32, #tpu.memory_space<vmem>>
      %dma_start3A_167 = arith.constant 0 : i32
      %dma_start3A_168 = arith.constant 0 : i32
      %dma_start3A_169 = tpu.memref_slice %arg10[%dma_start3A_167, %dma_start3A_168] : memref<1024x128xf32, #tpu.memory_space<vmem_shared>> -> memref<1024x128xf32, #tpu.memory_space<vmem_shared>>
      %dma_start3A_170 = tpu.memref_slice %arg12[%rem3A_121] : memref<4x!tpu.dma_semaphore, #tpu.memory_space<semaphore_mem>> -> memref<1x!tpu.dma_semaphore, #tpu.memory_space<semaphore_mem>>
      %dma_start3A_171 = tpu.memref_squeeze %dma_start3A_170 : memref<1x!tpu.dma_semaphore, #tpu.memory_space<semaphore_mem>> -> memref<!tpu.dma_semaphore, #tpu.memory_space<semaphore_mem>>
      tpu.enqueue_indirect_dma source(%dma_start3A_163 : memref<128x128xf32, #tpu.memory_space<vmem>>) target(%dma_start3A_169 : memref<1024x128xf32, #tpu.memory_space<vmem_shared>>) offsets(%dma_start3A_166 : memref<128xi32, #tpu.memory_space<vmem>>) semaphore(%dma_start3A_171 : memref<!tpu.dma_semaphore, #tpu.memory_space<semaphore_mem>>) {add = true}
    }
    %while3A_94 = arith.constant 1 : i32
    scf.for %while3A_119 = %while3A_92 to %while3A_88 step %while3A_94  : i32 {
      %rem3A_120 = arith.constant 4 : i32
      %rem3A_121 = arith.remsi %while3A_119, %rem3A_120 : i32
      %add3A_122 = arith.constant 2 : i32
      %add3A_123 = arith.addi %while3A_119, %add3A_122 : i32
      %lt3A_124 = arith.cmpi slt, %add3A_123, %select_n3A : i32
      %convert_element_type3A_125 = arith.extui %lt3A_124 : i1 to i32
      %cond3A_126 = arith.constant 0 : i32
      %cond3A_127 = arith.cmpi ne, %convert_element_type3A_125, %cond3A_126 : i32
      scf.if %cond3A_127 {
        %add3A_172 = arith.constant 2 : i32
        %add3A_173 = arith.addi %while3A_119, %add3A_172 : i32
        %add3A_174 = arith.constant 2 : i32
        %add3A_175 = arith.addi %while3A_119, %add3A_174 : i32
        %rem3A_176 = arith.constant 4 : i32
        %rem3A_177 = arith.remsi %add3A_175, %rem3A_176 : i32
        %add3A_178 = arith.addi %add3A_12, %add3A_173 : i32
        %mul3A_179 = arith.constant 128 : i32
        %mul3A_180 = arith.muli %add3A_178, %mul3A_179 : i32
        %dma_start3A_181 = arith.constant 0 : i32
        %dma_start3A_182 = arith.constant 0 : i32
        %dma_start3A_183 = tpu.memref_slice %arg6[%rem3A_177, %dma_start3A_181, %dma_start3A_182] : memref<4x128x128xf32, #tpu.memory_space<vmem>> -> memref<1x128x128xf32, #tpu.memory_space<vmem>>
        %dma_start3A_184 = tpu.memref_squeeze %dma_start3A_183 : memref<1x128x128xf32, #tpu.memory_space<vmem>> -> memref<128x128xf32, #tpu.memory_space<vmem>>
        %dma_start3A_185 = arith.constant 0 : i32
        %dma_start3A_186 = tpu.memref_slice %arg2[%mul3A_180, %dma_start3A_185] : memref<100000x128xf32, #tpu.memory_space<hbm>> -> memref<128x128xf32, #tpu.memory_space<hbm>>
        %dma_start3A_187 = tpu.memref_slice %arg11[%rem3A_177] : memref<4x!tpu.dma_semaphore, #tpu.memory_space<semaphore_mem>> -> memref<1x!tpu.dma_semaphore, #tpu.memory_space<semaphore_mem>>
        %dma_start3A_188 = tpu.memref_squeeze %dma_start3A_187 : memref<1x!tpu.dma_semaphore, #tpu.memory_space<semaphore_mem>> -> memref<!tpu.dma_semaphore, #tpu.memory_space<semaphore_mem>>
        %dma_start3A_189 = arith.constant 0 : i32
        %dma_start3A_190 = arith.constant 0 : i32
        %dma_start3A_191 = tpu.memref_slice %arg6[%rem3A_177, %dma_start3A_189, %dma_start3A_190] : memref<4x128x128xf32, #tpu.memory_space<vmem>> -> memref<1x128x128xf32, #tpu.memory_space<vmem>>
        %dma_start3A_192 = tpu.memref_squeeze %dma_start3A_191 : memref<1x128x128xf32, #tpu.memory_space<vmem>> -> memref<128x128xf32, #tpu.memory_space<vmem>>
        %dma_start3A_193 = arith.constant 0 : i32
        %dma_start3A_194 = tpu.memref_slice %arg2[%mul3A_180, %dma_start3A_193] : memref<100000x128xf32, #tpu.memory_space<hbm>> -> memref<128x128xf32, #tpu.memory_space<hbm>>
        tpu.enqueue_dma source(%dma_start3A_194 : memref<128x128xf32, #tpu.memory_space<hbm>>) target(%dma_start3A_192 : memref<128x128xf32, #tpu.memory_space<vmem>>) target_semaphore(%dma_start3A_188 : memref<!tpu.dma_semaphore, #tpu.memory_space<semaphore_mem>>)
        %add3A_195 = arith.addi %add3A_12, %add3A_173 : i32
        %mul3A_196 = arith.constant 128 : i32
        %mul3A_197 = arith.muli %add3A_195, %mul3A_196 : i32
        %dma_start3A_198 = arith.constant 0 : i32
        %dma_start3A_199 = tpu.memref_slice %arg7[%rem3A_177, %dma_start3A_198] : memref<4x128xi32, #tpu.memory_space<vmem>> -> memref<1x128xi32, #tpu.memory_space<vmem>>
        %dma_start3A_200 = tpu.memref_squeeze %dma_start3A_199 : memref<1x128xi32, #tpu.memory_space<vmem>> -> memref<128xi32, #tpu.memory_space<vmem>>
        %dma_start3A_201 = tpu.memref_slice %arg3[%mul3A_197] : memref<100000xi32, #tpu.memory_space<hbm>> -> memref<128xi32, #tpu.memory_space<hbm>>
        %dma_start3A_202 = tpu.memref_slice %arg11[%rem3A_177] : memref<4x!tpu.dma_semaphore, #tpu.memory_space<semaphore_mem>> -> memref<1x!tpu.dma_semaphore, #tpu.memory_space<semaphore_mem>>
        %dma_start3A_203 = tpu.memref_squeeze %dma_start3A_202 : memref<1x!tpu.dma_semaphore, #tpu.memory_space<semaphore_mem>> -> memref<!tpu.dma_semaphore, #tpu.memory_space<semaphore_mem>>
        %dma_start3A_204 = arith.constant 0 : i32
        %dma_start3A_205 = tpu.memref_slice %arg7[%rem3A_177, %dma_start3A_204] : memref<4x128xi32, #tpu.memory_space<vmem>> -> memref<1x128xi32, #tpu.memory_space<vmem>>
        %dma_start3A_206 = tpu.memref_squeeze %dma_start3A_205 : memref<1x128xi32, #tpu.memory_space<vmem>> -> memref<128xi32, #tpu.memory_space<vmem>>
        %dma_start3A_207 = tpu.memref_slice %arg3[%mul3A_197] : memref<100000xi32, #tpu.memory_space<hbm>> -> memref<128xi32, #tpu.memory_space<hbm>>
        tpu.enqueue_dma source(%dma_start3A_207 : memref<128xi32, #tpu.memory_space<hbm>>) target(%dma_start3A_206 : memref<128xi32, #tpu.memory_space<vmem>>) target_semaphore(%dma_start3A_203 : memref<!tpu.dma_semaphore, #tpu.memory_space<semaphore_mem>>)
      } else {
      }
      %dma_wait3A_128 = arith.constant 0 : i32
      %dma_wait3A_129 = arith.constant 0 : i32
      %dma_wait3A_130 = tpu.memref_slice %arg6[%rem3A_121, %dma_wait3A_128, %dma_wait3A_129] : memref<4x128x128xf32, #tpu.memory_space<vmem>> -> memref<1x128x128xf32, #tpu.memory_space<vmem>>
      %dma_wait3A_131 = tpu.memref_squeeze %dma_wait3A_130 : memref<1x128x128xf32, #tpu.memory_space<vmem>> -> memref<128x128xf32, #tpu.memory_space<vmem>>
      %dma_wait3A_132 = arith.constant 0 : i32
      %dma_wait3A_133 = arith.constant 0 : i32
      %dma_wait3A_134 = tpu.memref_slice %arg2[%dma_wait3A_132, %dma_wait3A_133] : memref<100000x128xf32, #tpu.memory_space<hbm>> -> memref<128x128xf32, #tpu.memory_space<hbm>>
      %dma_wait3A_135 = tpu.memref_slice %arg11[%rem3A_121] : memref<4x!tpu.dma_semaphore, #tpu.memory_space<semaphore_mem>> -> memref<1x!tpu.dma_semaphore, #tpu.memory_space<semaphore_mem>>
      %dma_wait3A_136 = tpu.memref_squeeze %dma_wait3A_135 : memref<1x!tpu.dma_semaphore, #tpu.memory_space<semaphore_mem>> -> memref<!tpu.dma_semaphore, #tpu.memory_space<semaphore_mem>>
      %dma_wait3A_137 = arith.constant 0 : i32
      %dma_wait3A_138 = arith.constant 0 : i32
      %dma_wait3A_139 = tpu.memref_slice %arg6[%rem3A_121, %dma_wait3A_137, %dma_wait3A_138] : memref<4x128x128xf32, #tpu.memory_space<vmem>> -> memref<1x128x128xf32, #tpu.memory_space<vmem>>
      %dma_wait3A_140 = tpu.memref_squeeze %dma_wait3A_139 : memref<1x128x128xf32, #tpu.memory_space<vmem>> -> memref<128x128xf32, #tpu.memory_space<vmem>>
      %dma_wait3A_141 = arith.constant 0 : i32
      %dma_wait3A_142 = arith.constant 0 : i32
      %dma_wait3A_143 = tpu.memref_slice %arg2[%dma_wait3A_141, %dma_wait3A_142] : memref<100000x128xf32, #tpu.memory_space<hbm>> -> memref<128x128xf32, #tpu.memory_space<hbm>>
      tpu.wait_dma2 semaphore(%dma_wait3A_136 : memref<!tpu.dma_semaphore, #tpu.memory_space<semaphore_mem>>) src(%dma_wait3A_143 : memref<128x128xf32, #tpu.memory_space<hbm>>) dst(%dma_wait3A_140 : memref<128x128xf32, #tpu.memory_space<vmem>>)
      %dma_wait3A_144 = arith.constant 0 : i32
      %dma_wait3A_145 = tpu.memref_slice %arg7[%rem3A_121, %dma_wait3A_144] : memref<4x128xi32, #tpu.memory_space<vmem>> -> memref<1x128xi32, #tpu.memory_space<vmem>>
      %dma_wait3A_146 = tpu.memref_squeeze %dma_wait3A_145 : memref<1x128xi32, #tpu.memory_space<vmem>> -> memref<128xi32, #tpu.memory_space<vmem>>
      %dma_wait3A_147 = arith.constant 0 : i32
      %dma_wait3A_148 = tpu.memref_slice %arg3[%dma_wait3A_147] : memref<100000xi32, #tpu.memory_space<hbm>> -> memref<128xi32, #tpu.memory_space<hbm>>
      %dma_wait3A_149 = tpu.memref_slice %arg11[%rem3A_121] : memref<4x!tpu.dma_semaphore, #tpu.memory_space<semaphore_mem>> -> memref<1x!tpu.dma_semaphore, #tpu.memory_space<semaphore_mem>>
      %dma_wait3A_150 = tpu.memref_squeeze %dma_wait3A_149 : memref<1x!tpu.dma_semaphore, #tpu.memory_space<semaphore_mem>> -> memref<!tpu.dma_semaphore, #tpu.memory_space<semaphore_mem>>
      %dma_wait3A_151 = arith.constant 0 : i32
      %dma_wait3A_152 = tpu.memref_slice %arg7[%rem3A_121, %dma_wait3A_151] : memref<4x128xi32, #tpu.memory_space<vmem>> -> memref<1x128xi32, #tpu.memory_space<vmem>>
      %dma_wait3A_153 = tpu.memref_squeeze %dma_wait3A_152 : memref<1x128xi32, #tpu.memory_space<vmem>> -> memref<128xi32, #tpu.memory_space<vmem>>
      %dma_wait3A_154 = arith.constant 0 : i32
      %dma_wait3A_155 = tpu.memref_slice %arg3[%dma_wait3A_154] : memref<100000xi32, #tpu.memory_space<hbm>> -> memref<128xi32, #tpu.memory_space<hbm>>
      tpu.wait_dma2 semaphore(%dma_wait3A_150 : memref<!tpu.dma_semaphore, #tpu.memory_space<semaphore_mem>>) src(%dma_wait3A_155 : memref<128xi32, #tpu.memory_space<hbm>>) dst(%dma_wait3A_153 : memref<128xi32, #tpu.memory_space<vmem>>)
      %ge3A = arith.constant 1 : i32
      %ge3A_156 = arith.cmpi sge, %while3A_119, %ge3A : i32
      %convert_element_type3A_157 = arith.extui %ge3A_156 : i1 to i32
      %cond3A_158 = arith.constant 0 : i32
      %cond3A_159 = arith.cmpi ne, %convert_element_type3A_157, %cond3A_158 : i32
      scf.if %cond3A_159 {
        %sub3A_172 = arith.constant 1 : i32
        %sub3A_173 = arith.subi %while3A_119, %sub3A_172 : i32
        %rem3A_174 = arith.constant 4 : i32
        %rem3A_175 = arith.remsi %sub3A_173, %rem3A_174 : i32
        %dma_wait3A_176 = arith.constant 0 : i32
        %dma_wait3A_177 = arith.constant 0 : i32
        %dma_wait3A_178 = tpu.memref_slice %arg6[%rem3A_175, %dma_wait3A_176, %dma_wait3A_177] : memref<4x128x128xf32, #tpu.memory_space<vmem>> -> memref<1x128x128xf32, #tpu.memory_space<vmem>>
        %dma_wait3A_179 = tpu.memref_squeeze %dma_wait3A_178 : memref<1x128x128xf32, #tpu.memory_space<vmem>> -> memref<128x128xf32, #tpu.memory_space<vmem>>
        %dma_wait3A_180 = arith.constant 0 : i32
        %dma_wait3A_181 = arith.constant 0 : i32
        %dma_wait3A_182 = tpu.memref_slice %arg2[%dma_wait3A_180, %dma_wait3A_181] : memref<100000x128xf32, #tpu.memory_space<hbm>> -> memref<128x128xf32, #tpu.memory_space<hbm>>
        %dma_wait3A_183 = tpu.memref_slice %arg12[%rem3A_175] : memref<4x!tpu.dma_semaphore, #tpu.memory_space<semaphore_mem>> -> memref<1x!tpu.dma_semaphore, #tpu.memory_space<semaphore_mem>>
        %dma_wait3A_184 = tpu.memref_squeeze %dma_wait3A_183 : memref<1x!tpu.dma_semaphore, #tpu.memory_space<semaphore_mem>> -> memref<!tpu.dma_semaphore, #tpu.memory_space<semaphore_mem>>
        %dma_wait3A_185 = arith.constant 0 : i32
        %dma_wait3A_186 = arith.constant 0 : i32
        %dma_wait3A_187 = tpu.memref_slice %arg6[%rem3A_175, %dma_wait3A_185, %dma_wait3A_186] : memref<4x128x128xf32, #tpu.memory_space<vmem>> -> memref<1x128x128xf32, #tpu.memory_space<vmem>>
        %dma_wait3A_188 = tpu.memref_squeeze %dma_wait3A_187 : memref<1x128x128xf32, #tpu.memory_space<vmem>> -> memref<128x128xf32, #tpu.memory_space<vmem>>
        %dma_wait3A_189 = arith.constant 0 : i32
        %dma_wait3A_190 = arith.constant 0 : i32
        %dma_wait3A_191 = tpu.memref_slice %arg2[%dma_wait3A_189, %dma_wait3A_190] : memref<100000x128xf32, #tpu.memory_space<hbm>> -> memref<128x128xf32, #tpu.memory_space<hbm>>
        tpu.wait_dma2 semaphore(%dma_wait3A_184 : memref<!tpu.dma_semaphore, #tpu.memory_space<semaphore_mem>>) src(%dma_wait3A_191 : memref<128x128xf32, #tpu.memory_space<hbm>>) dst(%dma_wait3A_188 : memref<128x128xf32, #tpu.memory_space<vmem>>)
      } else {
      }
      %dma_start3A_160 = arith.constant 0 : i32
      %dma_start3A_161 = arith.constant 0 : i32
      %dma_start3A_162 = tpu.memref_slice %arg6[%rem3A_121, %dma_start3A_160, %dma_start3A_161] : memref<4x128x128xf32, #tpu.memory_space<vmem>> -> memref<1x128x128xf32, #tpu.memory_space<vmem>>
      %dma_start3A_163 = tpu.memref_squeeze %dma_start3A_162 : memref<1x128x128xf32, #tpu.memory_space<vmem>> -> memref<128x128xf32, #tpu.memory_space<vmem>>
      %dma_start3A_164 = arith.constant 0 : i32
      %dma_start3A_165 = tpu.memref_slice %arg7[%rem3A_121, %dma_start3A_164] : memref<4x128xi32, #tpu.memory_space<vmem>> -> memref<1x128xi32, #tpu.memory_space<vmem>>
      %dma_start3A_166 = tpu.memref_squeeze %dma_start3A_165 : memref<1x128xi32, #tpu.memory_space<vmem>> -> memref<128xi32, #tpu.memory_space<vmem>>
      %dma_start3A_167 = arith.constant 0 : i32
      %dma_start3A_168 = arith.constant 0 : i32
      %dma_start3A_169 = tpu.memref_slice %arg10[%dma_start3A_167, %dma_start3A_168] : memref<1024x128xf32, #tpu.memory_space<vmem_shared>> -> memref<1024x128xf32, #tpu.memory_space<vmem_shared>>
      %dma_start3A_170 = tpu.memref_slice %arg12[%rem3A_121] : memref<4x!tpu.dma_semaphore, #tpu.memory_space<semaphore_mem>> -> memref<1x!tpu.dma_semaphore, #tpu.memory_space<semaphore_mem>>
      %dma_start3A_171 = tpu.memref_squeeze %dma_start3A_170 : memref<1x!tpu.dma_semaphore, #tpu.memory_space<semaphore_mem>> -> memref<!tpu.dma_semaphore, #tpu.memory_space<semaphore_mem>>
      tpu.enqueue_indirect_dma source(%dma_start3A_163 : memref<128x128xf32, #tpu.memory_space<vmem>>) target(%dma_start3A_169 : memref<1024x128xf32, #tpu.memory_space<vmem_shared>>) offsets(%dma_start3A_166 : memref<128xi32, #tpu.memory_space<vmem>>) semaphore(%dma_start3A_171 : memref<!tpu.dma_semaphore, #tpu.memory_space<semaphore_mem>>) {add = true}
    }
    %sub3A = arith.constant 1 : i32
    %sub3A_95 = arith.subi %select_n3A, %sub3A : i32
    %rem3A = arith.constant 4 : i32
    %rem3A_96 = arith.remsi %sub3A_95, %rem3A : i32
    %dma_wait3A = arith.constant 0 : i32
    %dma_wait3A_97 = arith.constant 0 : i32
    %dma_wait3A_98 = tpu.memref_slice %arg6[%rem3A_96, %dma_wait3A, %dma_wait3A_97] : memref<4x128x128xf32, #tpu.memory_space<vmem>> -> memref<1x128x128xf32, #tpu.memory_space<vmem>>
    %dma_wait3A_99 = tpu.memref_squeeze %dma_wait3A_98 : memref<1x128x128xf32, #tpu.memory_space<vmem>> -> memref<128x128xf32, #tpu.memory_space<vmem>>
    %dma_wait3A_100 = arith.constant 0 : i32
    %dma_wait3A_101 = arith.constant 0 : i32
    %dma_wait3A_102 = tpu.memref_slice %arg2[%dma_wait3A_100, %dma_wait3A_101] : memref<100000x128xf32, #tpu.memory_space<hbm>> -> memref<128x128xf32, #tpu.memory_space<hbm>>
    %dma_wait3A_103 = tpu.memref_slice %arg12[%rem3A_96] : memref<4x!tpu.dma_semaphore, #tpu.memory_space<semaphore_mem>> -> memref<1x!tpu.dma_semaphore, #tpu.memory_space<semaphore_mem>>
    %dma_wait3A_104 = tpu.memref_squeeze %dma_wait3A_103 : memref<1x!tpu.dma_semaphore, #tpu.memory_space<semaphore_mem>> -> memref<!tpu.dma_semaphore, #tpu.memory_space<semaphore_mem>>
    %dma_wait3A_105 = arith.constant 0 : i32
    %dma_wait3A_106 = arith.constant 0 : i32
    %dma_wait3A_107 = tpu.memref_slice %arg6[%rem3A_96, %dma_wait3A_105, %dma_wait3A_106] : memref<4x128x128xf32, #tpu.memory_space<vmem>> -> memref<1x128x128xf32, #tpu.memory_space<vmem>>
    %dma_wait3A_108 = tpu.memref_squeeze %dma_wait3A_107 : memref<1x128x128xf32, #tpu.memory_space<vmem>> -> memref<128x128xf32, #tpu.memory_space<vmem>>
    %dma_wait3A_109 = arith.constant 0 : i32
    %dma_wait3A_110 = arith.constant 0 : i32
    %dma_wait3A_111 = tpu.memref_slice %arg2[%dma_wait3A_109, %dma_wait3A_110] : memref<100000x128xf32, #tpu.memory_space<hbm>> -> memref<128x128xf32, #tpu.memory_space<hbm>>
    tpu.wait_dma2 semaphore(%dma_wait3A_104 : memref<!tpu.dma_semaphore, #tpu.memory_space<semaphore_mem>>) src(%dma_wait3A_111 : memref<128x128xf32, #tpu.memory_space<hbm>>) dst(%dma_wait3A_108 : memref<128x128xf32, #tpu.memory_space<vmem>>)
    %eq3A = arith.constant 31 : i32
    %eq3A_112 = arith.cmpi eq, %add3A, %eq3A : i32
    %convert_element_type3A = arith.extui %eq3A_112 : i1 to i32
    %cond3A = arith.constant 0 : i32
    %cond3A_113 = arith.cmpi ne, %convert_element_type3A, %cond3A : i32
    scf.if %cond3A_113 {
      "tpu.region"() ({
        %run_scoped3A_119 = tpu.sem_alloc : memref<!tpu.dma_semaphore, #tpu.memory_space<semaphore_mem>>
        %dma_start3A_120 = arith.constant 99968 : i32
        %dma_start3A_121 = arith.constant 0 : i32
        %dma_start3A_122 = tpu.memref_slice %arg2[%dma_start3A_120, %dma_start3A_121] : memref<100000x128xf32, #tpu.memory_space<hbm>> -> memref<32x128xf32, #tpu.memory_space<hbm>>
        %dma_start3A_123 = arith.constant 99968 : i32
        %dma_start3A_124 = arith.constant 0 : i32
        %dma_start3A_125 = tpu.memref_slice %arg2[%dma_start3A_123, %dma_start3A_124] : memref<100000x128xf32, #tpu.memory_space<hbm>> -> memref<32x128xf32, #tpu.memory_space<hbm>>
        tpu.enqueue_dma source(%dma_start3A_125 : memref<32x128xf32, #tpu.memory_space<hbm>>) target(%arg8 : memref<32x128xf32, #tpu.memory_space<vmem>>) target_semaphore(%run_scoped3A_119 : memref<!tpu.dma_semaphore, #tpu.memory_space<semaphore_mem>>)
        %dma_wait3A_126 = arith.constant 99968 : i32
        %dma_wait3A_127 = arith.constant 0 : i32
        %dma_wait3A_128 = tpu.memref_slice %arg2[%dma_wait3A_126, %dma_wait3A_127] : memref<100000x128xf32, #tpu.memory_space<hbm>> -> memref<32x128xf32, #tpu.memory_space<hbm>>
        %dma_wait3A_129 = arith.constant 99968 : i32
        %dma_wait3A_130 = arith.constant 0 : i32
        %dma_wait3A_131 = tpu.memref_slice %arg2[%dma_wait3A_129, %dma_wait3A_130] : memref<100000x128xf32, #tpu.memory_space<hbm>> -> memref<32x128xf32, #tpu.memory_space<hbm>>
        tpu.wait_dma2 semaphore(%run_scoped3A_119 : memref<!tpu.dma_semaphore, #tpu.memory_space<semaphore_mem>>) src(%dma_wait3A_131 : memref<32x128xf32, #tpu.memory_space<hbm>>) dst(%arg8 : memref<32x128xf32, #tpu.memory_space<vmem>>)
        tpu.yield
      }) : () -> ()
      "tpu.region"() ({
        %run_scoped3A_119 = tpu.sem_alloc : memref<!tpu.dma_semaphore, #tpu.memory_space<semaphore_mem>>
        tpu.enqueue_dma source(%arg4 : memref<32xi32, #tpu.memory_space<hbm>>) target(%arg9 : memref<32xi32, #tpu.memory_space<vmem>>) target_semaphore(%run_scoped3A_119 : memref<!tpu.dma_semaphore, #tpu.memory_space<semaphore_mem>>)
        tpu.wait_dma2 semaphore(%run_scoped3A_119 : memref<!tpu.dma_semaphore, #tpu.memory_space<semaphore_mem>>) src(%arg4 : memref<32xi32, #tpu.memory_space<hbm>>) dst(%arg9 : memref<32xi32, #tpu.memory_space<vmem>>)
        tpu.yield
      }) : () -> ()
      "tpu.region"() ({
        %run_scoped3A_119 = tpu.sem_alloc : memref<!tpu.dma_semaphore, #tpu.memory_space<semaphore_mem>>
        %dma_start3A_120 = arith.constant 0 : i32
        %dma_start3A_121 = arith.constant 0 : i32
        %dma_start3A_122 = tpu.memref_slice %arg10[%dma_start3A_120, %dma_start3A_121] : memref<1024x128xf32, #tpu.memory_space<vmem_shared>> -> memref<1024x128xf32, #tpu.memory_space<vmem_shared>>
        tpu.enqueue_indirect_dma source(%arg8 : memref<32x128xf32, #tpu.memory_space<vmem>>) target(%dma_start3A_122 : memref<1024x128xf32, #tpu.memory_space<vmem_shared>>) offsets(%arg9 : memref<32xi32, #tpu.memory_space<vmem>>) semaphore(%run_scoped3A_119 : memref<!tpu.dma_semaphore, #tpu.memory_space<semaphore_mem>>) {add = true}
        %dma_wait3A_123 = arith.constant 0 : i32
        %dma_wait3A_124 = arith.constant 0 : i32
        %dma_wait3A_125 = tpu.memref_slice %arg10[%dma_wait3A_123, %dma_wait3A_124] : memref<1024x128xf32, #tpu.memory_space<vmem_shared>> -> memref<1024x128xf32, #tpu.memory_space<vmem_shared>>
        tpu.wait_indirect_dma semaphore(%run_scoped3A_119 : memref<!tpu.dma_semaphore, #tpu.memory_space<semaphore_mem>>) src(%arg8 : memref<32x128xf32, #tpu.memory_space<vmem>>) dst(%dma_wait3A_125 : memref<1024x128xf32, #tpu.memory_space<vmem_shared>>)
        tpu.yield
      }) : () -> ()
    } else {
    }
    %barrier3A_114 = arith.constant 0 : index
    tpu.barrier barrier_id(%barrier3A_114)
    %mul3A_115 = arith.constant 64 : i32
    %mul3A_116 = arith.muli %arg1, %mul3A_115 : i32
    %mul3A_117 = arith.constant 64 : i32
    %mul3A_118 = arith.muli %arg1, %mul3A_117 : i32
    "tpu.region"() ({
      %run_scoped3A_119 = tpu.sem_alloc : memref<!tpu.dma_semaphore, #tpu.memory_space<semaphore_mem>>
      %dma_start3A_120 = arith.constant 0 : i32
      %dma_start3A_121 = tpu.memref_slice %arg5[%arg0, %mul3A_118, %dma_start3A_120] : memref<2x1024x128xf32, #tpu.memory_space<hbm>> -> memref<1x64x128xf32, #tpu.memory_space<hbm>>
      %dma_start3A_122 = tpu.memref_squeeze %dma_start3A_121 : memref<1x64x128xf32, #tpu.memory_space<hbm>> -> memref<64x128xf32, #tpu.memory_space<hbm>>
      %dma_start3A_123 = arith.constant 0 : i32
      %dma_start3A_124 = tpu.memref_slice %arg10[%mul3A_116, %dma_start3A_123] : memref<1024x128xf32, #tpu.memory_space<vmem_shared>> -> memref<64x128xf32, #tpu.memory_space<vmem_shared>>
      tpu.enqueue_dma source(%dma_start3A_124 : memref<64x128xf32, #tpu.memory_space<vmem_shared>>) target(%dma_start3A_122 : memref<64x128xf32, #tpu.memory_space<hbm>>) target_semaphore(%run_scoped3A_119 : memref<!tpu.dma_semaphore, #tpu.memory_space<semaphore_mem>>)
      %dma_wait3A_125 = arith.constant 0 : i32
      %dma_wait3A_126 = tpu.memref_slice %arg5[%arg0, %mul3A_118, %dma_wait3A_125] : memref<2x1024x128xf32, #tpu.memory_space<hbm>> -> memref<1x64x128xf32, #tpu.memory_space<hbm>>
      %dma_wait3A_127 = tpu.memref_squeeze %dma_wait3A_126 : memref<1x64x128xf32, #tpu.memory_space<hbm>> -> memref<64x128xf32, #tpu.memory_space<hbm>>
      %dma_wait3A_128 = arith.constant 0 : i32
      %dma_wait3A_129 = tpu.memref_slice %arg10[%mul3A_116, %dma_wait3A_128] : memref<1024x128xf32, #tpu.memory_space<vmem_shared>> -> memref<64x128xf32, #tpu.memory_space<vmem_shared>>
      tpu.wait_dma2 semaphore(%run_scoped3A_119 : memref<!tpu.dma_semaphore, #tpu.memory_space<semaphore_mem>>) src(%dma_wait3A_129 : memref<64x128xf32, #tpu.memory_space<vmem_shared>>) dst(%dma_wait3A_127 : memref<64x128xf32, #tpu.memory_space<hbm>>)
      tpu.yield
    }) : () -> ()
    return
  }
}

module attributes {stable_mosaic.version = 14 : i64} {
  func.func @body(%arg0: memref<2x1024x128xf32, #tpu.memory_space<vmem>>, %arg1: memref<1024x128xf32, #tpu.memory_space<vmem>>) attributes {dimension_semantics = [], scalar_prefetch = 0 : i64, scratch_operands = 0 : i64, tpu.core_type = #tpu.core_type<tc>} {
    %get3A = arith.constant 0 : index
    %get3A_0 = arith.constant 0 : index
    %get3A_1 = arith.constant 0 : index
    %get3A_2 = vector.load %arg0[%get3A, %get3A_0, %get3A_1] : memref<2x1024x128xf32, #tpu.memory_space<vmem>>, vector<1x1024x128xf32>
    %get3A_3 = vector.shape_cast %get3A_2 : vector<1x1024x128xf32> to vector<1024x128xf32>
    %get3A_4 = arith.constant 1 : index
    %get3A_5 = arith.constant 0 : index
    %get3A_6 = arith.constant 0 : index
    %get3A_7 = vector.load %arg0[%get3A_4, %get3A_5, %get3A_6] : memref<2x1024x128xf32, #tpu.memory_space<vmem>>, vector<1x1024x128xf32>
    %get3A_8 = vector.shape_cast %get3A_7 : vector<1x1024x128xf32> to vector<1024x128xf32>
    %add3A = arith.addf %get3A_3, %get3A_8 : vector<1024x128xf32>
    %swap3A = arith.constant 0 : index
    %swap3A_9 = arith.constant 0 : index
    %swap3A_10 = vector.load %arg1[%swap3A, %swap3A_9] : memref<1024x128xf32, #tpu.memory_space<vmem>>, vector<1024x128xf32>
    tpu.vector_store %arg1[%swap3A, %swap3A_9], %add3A {strides = array<i32>} : memref<1024x128xf32, #tpu.memory_space<vmem>>, vector<1024x128xf32>,
    return
  }
}

</mosaic_0001>

<sc_bundles>
// kernel: kernel.4.cloned.1.call-start
scs
__scs_entry_jumppad:
0x0: {  	(pc) =	sbr.rel $0x88, $3  }
0x1: {  	(tag) =	ssettag $0x0;
	lr =	simm.s32 $0x1  }
0x2: {  	[smem:$0x3F9F] =	sst lr;
	_ =	strace $0xD0000000  }
0x3: {  	_ = 	snop  }
0x4: {  	_ = 	snop  }
0x5: {  	_ = 	snop  }
0x6: {  	_ = 	snop  }
0x7: {  	_ = 	snop  }
__scs_overlays_trampoline_lowered:
0x8: {  	[smem:$0x3FAE] =	sst s0  }
0x9: {  	[smem:$0x3FAF] =	sst s1  }
0xa: {  	[smem:$0x3FB0] =	sst s2  }
0xb: {  	[smem:$0x3FB1] =	sst s3  }
0xc: {  	[smem:$0x3FB2] =	sst s4  }
0xd: {  	[smem:$0x3FB3] =	sst s5  }
0xe: {  	[smem:$0x3FB4] =	sst s6  }
0xf: {  	[smem:$0x3FB5] =	sst s7  }
0x10: {  	[smem:$0x3FB6] =	sst s8  }
0x11: {  	[smem:$0x3FB7] =	sst s9;
	s0 =	simm.s32 @!p0 $0x0  }
0x12: {  	s1 =	sld [smem:$0x3F9D];
	s0 =	simm.s32 @p0 $0x1  }
0x13: {  	[smem:$0x3FB8] =	sst s0;
	s0 =	simm.s32 @!p1 $0x0  }
0x14: {  	s2 =	sld [smem:$0x3F9C];
	s0 =	simm.s32 @p1 $0x1  }
0x15: {  	[smem:$0x3FB9] =	sst s0;
	s0 =	simm.s32 @!p2 $0x0  }
0x16: {  	s3 =	sld [smem:$0x3FDB];
	s0 =	simm.s32 @p2 $0x1  }
0x17: {  	s4 =	simm.s32 $0x1BF5;
	[smem:$0x3FBB] =	sst s0  }
0x18: {  	s0 =	sld [smem:$0x3F9E];
	_ =	swait.ge [sflag:s4], $0x0  }
0x19: {  	s7 =	sld [smem:$0x3F9F]  }
0x1a: {  	s8 =	sadd.s32 $0xFFFFE003, lr  }
0x1b: {  	s9 =	sadd.s32 $0xFFFFFEF7, lr;
	s5 =	simm.s32 $0xFFFFFFFF;
	p2 =	slt.u32 s8, $0xFFFFF086  }
0x1c: {  	p1 =	slt.u32 s9, $0xF7A;
	s5 =	simm.s32 @!p2 $0x0  }
0x1d: {  	s5 =	simm.s32 @p1 $0x1;
	p0 =	seq.s32 s7, s2  }
0x1e: {  	s7 =	smul.u32 @!p0 $0xF7A, s2;
	p2 =	seq.s32 @!p0 s5, $0x0  }
0x1f: {  	s9 =	smul.u32 $0xF7A, s1;
	s8 =	simm.s32 @!p0 $0x1BF5;
	p2 =	por !p2, p0  }
0x20: {  	[sflag:s8] =	ssyncset.s32 @!p0 $0xFFFFF086;
	s6 =	sadd.s32 @!p0 s3, s7;
	s7 =	simm.s32 @!p0 $0x108  }
0x21: {  	s3 =	sadd.s32 s3, s9;
	s6 =	sadd.s32 @!p0 $0x88, s6;
	s7 =	simm.s32 @p2 $0x1082  }
0x22: {  	[simem:s7], [sflag:s8] =	dma.local @!p0 [hbm:s6], $0xF7A  }
0x23: {  	s9 =	sor.u32 $0xD0000000, s2;
	s6 =	simm.s32 $0x108;
	_ =	swait.ge @!p0 [sflag:s8], $0x0  }
0x24: {  	s3 =	sadd.s32 $0x88, s3;
	s6 =	simm.s32 @!p1 $0x1082;
	[sflag:s4] =	ssyncset.s32 $0xFFFFF086  }
0x25: {  	[simem:s6], [sflag:s4] =	dma.local [hbm:s3], $0xF7A  }
0x26: {  	[smem:$0x3F9F] =	sst s1;
	(tag) =	ssettag s2;
	_ =	strace s9  }
0x27: {  	s1 =	sld [smem:$0x3FAF]  }
0x28: {  	s2 =	sld [smem:$0x3FB0]  }
0x29: {  	s4 =	sld [smem:$0x3FB2]  }
0x2a: {  	p0 =	seq.s32 s5, $0x0;
	s5 =	sld [smem:$0x3FB3]  }
0x2b: {  	s6 =	sld [smem:$0x3FB4]  }
0x2c: {  	s7 =	sld [smem:$0x3FB5]  }
0x2d: {  	s3 =	simm.s32 $0x108;
	s8 =	sld [smem:$0x3FB6]  }
0x2e: {  	s3 =	simm.s32 @!p0 $0x1082;
	s9 =	sld [smem:$0x3FB7]  }
0x2f: {  	lr =	sadd.s32 s0, s3;
	s0 =	sld [smem:$0x3FAE]  }
0x30: {  	s3 =	sld [smem:$0x3FB1]  }
0x31: {  	[smem:$0x3FBA] =	sst s10  }
0x32: {  	s10 =	sld [smem:$0x3FB8];
	_ =	sdelay $0x3  }
0x33: {  	p0 =	seq.s32 s10, $0x1;
	s10 =	sld [smem:$0x3FBA];
	_ =	sdelay $0x3  }
0x34: {  	[smem:$0x3FBA] =	sst s10  }
0x35: {  	s10 =	sld [smem:$0x3FB9];
	_ =	sdelay $0x3  }
0x36: {  	p1 =	seq.s32 s10, $0x1;
	s10 =	sld [smem:$0x3FBA];
	_ =	sdelay $0x3  }
0x37: {  	[smem:$0x3FBA] =	sst s10  }
0x38: {  	s10 =	sld [smem:$0x3FBB]  }
0x39: {  	_ = 	snop;
	(pc) =	sbr.ind lr, $3  }
0x3a: {  	_ = 	snop  }
0x3b: {  	_ = 	snop  }
0x3c: {  	p2 =	seq.s32 s10, $0x1;
	s10 =	sld [smem:$0x3FBA]  }
0x3d: {  	_ =	shalt  }
0x3e: {  	_ =	shalt  }
0x3f: {  	_ =	shalt  }
0x40: {  	_ =	shalt  }
0x41: {  	_ =	shalt  }
0x42: {  	_ =	shalt  }
0x43: {  	_ =	shalt  }
0x44: {  	_ =	shalt  }
0x45: {  	_ =	shalt  }
0x46: {  	_ =	shalt  }
0x47: {  	_ =	shalt  }
0x48: {  	_ =	shalt  }
0x49: {  	_ =	shalt  }
0x4a: {  	_ =	shalt  }
0x4b: {  	_ =	shalt  }
0x4c: {  	_ =	shalt  }
0x4d: {  	_ =	shalt  }
0x4e: {  	_ =	shalt  }
0x4f: {  	_ =	shalt  }
0x50: {  	_ =	shalt  }
0x51: {  	_ =	shalt  }
0x52: {  	_ =	shalt  }
0x53: {  	_ =	shalt  }
0x54: {  	_ =	shalt  }
0x55: {  	_ =	shalt  }
0x56: {  	_ =	shalt  }
0x57: {  	_ =	shalt  }
0x58: {  	_ =	shalt  }
0x59: {  	_ =	shalt  }
0x5a: {  	_ =	shalt  }
0x5b: {  	_ =	shalt  }
0x5c: {  	_ =	shalt  }
0x5d: {  	_ =	shalt  }
0x5e: {  	_ =	shalt  }
0x5f: {  	_ =	shalt  }
0x60: {  	_ =	shalt  }
0x61: {  	_ =	shalt  }
0x62: {  	_ =	shalt  }
0x63: {  	_ =	shalt  }
0x64: {  	_ =	shalt  }
0x65: {  	_ =	shalt  }
0x66: {  	_ =	shalt  }
0x67: {  	_ =	shalt  }
0x68: {  	_ =	shalt  }
0x69: {  	_ =	shalt  }
0x6a: {  	_ =	shalt  }
0x6b: {  	_ =	shalt  }
0x6c: {  	_ =	shalt  }
0x6d: {  	_ =	shalt  }
0x6e: {  	_ =	shalt  }
0x6f: {  	_ =	shalt  }
0x70: {  	_ =	shalt  }
0x71: {  	_ =	shalt  }
0x72: {  	_ =	shalt  }
0x73: {  	_ =	shalt  }
0x74: {  	_ =	shalt  }
0x75: {  	_ =	shalt  }
0x76: {  	_ =	shalt  }
0x77: {  	_ =	shalt  }
0x78: {  	_ =	shalt  }
0x79: {  	_ =	shalt  }
0x7a: {  	_ =	shalt  }
0x7b: {  	_ =	shalt  }
0x7c: {  	_ =	shalt  }
0x7d: {  	_ =	shalt  }
0x7e: {  	_ =	shalt  }
0x7f: {  	_ =	shalt  }
0x80: {  	_ =	shalt  }
0x81: {  	_ =	shalt  }
0x82: {  	_ =	shalt  }
0x83: {  	_ =	shalt  }
0x84: {  	_ =	shalt  }
0x85: {  	_ =	shalt  }
0x86: {  	_ =	shalt  }
0x87: {  	_ =	shalt  }
.Lfunc_end0:
.L_simem_size_0:
called_computation_lowered:
.L_overlay_start_0:
0x88: {  	s2 =	sld [smem:$0x3FD9]  }
0x89: {  	s3 =	sld [smem:$0x3FFE];
	_ =	sdelay $0x1  }
0x8a: {  	s1 =	srdreg.scid  }
0x8b: {  	s0 =	sand.u32 $0x1, s1  }
0x8c: {  	s17 =	sshll.u32 s0, $0xA;
	s2 =	sadd.s32 s3, s2  }
0x8d: {  	s2 =	sadd.s32 s2, s17  }
0x8e: {  	[smem:$0x3FC6] =	sst s2  }
0x8f: {  	_ = 	snop  }
0x90: {  	s2 =	sld [smem:$0x3FC9]  }
0x91: {  	s18 =	sld [smem:$0x3FC8]  }
0x92: {  	s4 =	sld [smem:$0x3FD0];
	(tm) =	ssettm $0x1  }
0x93: {  	s5 =	sld [smem:$0x3FFB];
	_ =	sdelay $0x3  }
0x94: {  	_ =	strace s5  }
0x95: {  	s5 =	sld [smem:$0x3FFC];
	_ =	sdelay $0x3  }
0x96: {  	_ =	strace s5  }
0x97: {  	s5 =	sld [smem:$0x3FFD];
	_ =	sdelay $0x3  }
0x98: {  	_ =	strace s5  }
0x99: {  	_ =	strace $0x8FFFFFFF  }
0x9a: {  	s19 =	sld [smem:$0x3FDB];
	_ =	sdelay $0x1  }
0x9b: {  	s6 =	simm.s32 $_scs_section_size  }
0x9c: {  	s7 =	simm.s32 $_size__tile_overlayer_lowered;
	s8 =	simm.s32 $_tile_overlayer_lowered  }
0x9d: {  	s22 =	simm.s32 $0x1BFF;
	s21 =	sshll.u32 s8, $0x1;
	s5 =	sadd.s32 s6, s19  }
0x9e: {  	s9 =	simm.s32 $0x0;
	s20 =	sshll.u32 s7, $0x1;
	s7 =	sadd.s32 s21, s5  }
0x9f: {  	[timem:s9], [sflag:s22] =	dma.local [hbm:s7], s20  }
0xa0: {  	_ =	swait.ge [sflag:s22], s20  }
0xa1: {  	s6 =	ssub.s32 $0x0, s20;
	[sflag:s22] =	ssyncset.done $0x0  }
0xa2: {  	[sflag:s22] =	ssyncadd.s32 s6;
	_ =	sdelay $0x1  }
0xa3: {  	s23 =	simm.s32 $0x1B8B  }
0xa4: {  	_ =	swait.ge [sflag:s23], $0x1  }
0xa5: {  	[sflag:s23] =	ssyncset.done $0x0  }
0xa6: {  	s25 =	simm.s32 $0x1B8E;
	s24 =	sld [smem:$0x3FFE];
	[sflag:s23] =	ssyncadd.s32 $0xFFFFFFFF  }
0xa7: {  	s26 =	simm.s32 $execute0_lowered;
	[smem:$0x3FD2] =	sst s25  }
0xa8: {  	s7 =	sshll.u32 s26, $0x1;
	_ =	strace $0x80000046;
	[dreg:$0x1] =	wrdreg $0xFFFFFFFF  }
0xa9: {  	s28 =	simm.s32 $_size_execute0_lowered;
	s5 =	sadd.s32 s5, s7;
	[dreg:$0x0] =	wrdreg $0x0  }
0xaa: {  	s7 =	sshll.u32 s28, $0x1;
	[dreg:$0x2] =	wrdreg s5  }
0xab: {  	[dreg:$0x3] =	wrdreg s7  }
0xac: {  	[dreg:$0x4] =	wrdreg $0xC0  }
0xad: {  	_ =	task [dreg:s9], $0x5FFFF  }
0xae: {  	[dreg:$0x1] =	wrdreg $0xFFFFFFFF  }
0xaf: {  	[dreg:$0x0] =	wrdreg $0x60  }
0xb0: {  	[dreg:$0x2] =	wrdreg s2  }
0xb1: {  	[dreg:$0x3] =	wrdreg s18  }
0xb2: {  	[dreg:$0x4] =	wrdreg s4  }
0xb3: {  	[dreg:$0x5] =	wrdreg s24  }
0xb4: {  	[dreg:$0x6] =	wrdreg $0x112800  }
0xb5: {  	[dreg:$0x7] =	wrdreg $0x9  }
0xb6: {  	_ =	task.clear_ibuf [dreg:s9], $0x8FFFF;
	_ =	strace $0x90000046  }
0xb7: {  	s29 =	simm.s32 $0x9;
	_ =	strace $0x80000048  }
0xb8: {  	_ =	swait.ge [sflag:s29], $0x1  }
0xb9: {  	[sflag:s29] =	ssyncadd.s32 $0xFFFFFFFF  }
0xba: {  	_ =	strace $0x90000048  }
0xbb: {  	_ =	sfence  }
0xbc: {  	s30 =	sld [smem:$0x0];
	_ =	sdelay $0x2  }
0xbd: {  	s31 =	sshll.u32 s1, $0xD;
	s1 =	sshrl.u32 s1, $0x2  }
0xbe: {  	s3 =	sand.u32 $0x4000, s31;
	s1 =	sadd.s32 s1, s30  }
0xbf: {  	s0 =	sor.u32 s3, s0;
	s1 =	sshll.u32 s1, $0x11  }
0xc0: {  	s0 =	sor.u32 s1, s0  }
0xc1: {  	s0 =	sadd.s32 $0x8F2B, s0  }
0xc2: {  	[sflag:s0] =	ssyncadd.remote.s32 $0x1  }
0xc3: {  	_ =	sfence.sel $0xFFFF  }
0xc4: {  	[dreg:$0x0] =	wrdreg $0xFFFFFFFF;
	(pc) =	sbr.abs _section_cstart, $3  }
0xc5: {  	[dreg:$0x1] =	wrdreg $0xFFFFFFFF  }
0xc6: {  	_ =	task.clear_ibuf [dreg:s9], $0x2FFFF;
	_ =	strace $0x9FFFFFFF  }
0xc7: {  	(tm) =	ssettm $0x7FFFFFFF  }
tec
execute0_lowered:
.L_overlay_start_1:
0x0: {  	(tag) =	ssettag $0x1  }
0x1: {  	s0 =	rddreg [dreg:$0x0]  }
0x2: {  	s1 =	rddreg [dreg:$0x1]  }
0x3: {  	s3 =	rddreg [dreg:$0x3]  }
0x4: {  	s2 =	rddreg [dreg:$0x4];
	s4 =	simm.s32 $0x0  }
0x5: {  	s14 =	stileid.u32;
	s5 =	srdreg.scid;
	s28 =	simm.s32 $0x80  }
0x6: {  	[smem:$0x7FF] =	sst s4;
	s6 =	sshll.u32 s14, $0xA;
	s7 =	sand.u32 $0x1, s5  }
0x7: {  	s18 =	sshll.u32 s14, $0x1;
	s8 =	sshll.u32 s14, $0xD;
	s16 =	smul.u32 $0x30, s14  }
0x8: {  	_ =	strace $0x80000047;
	s3 =	sadd.s32 s6, s3;
	s19 =	ssub.s32 $0x2, s7  }
0x9: {  	s22 =	sor.u32 s7, s18;
	s5 =	sadd.s32 s8, s2;
	s6 =	simm.s32 $0x19  }
0xa: {  	s25 =	sshll.u32 s7, $0xE;
	s7 =	smul.u32 $0x18, s7;
	s20 =	sshrl.u32 s19, $0x1  }
0xb: {  	s9 =	smul.u32 $0x18, s22;
	s17 =	smin.u32 s22, $0xD;
	p0 =	slt.u32 s22, $0xD  }
0xc: {  	s3 =	sadd.s32 s25, s3;
	s15 =	ssub.s32 s19, s20;
	s6 =	simm.s32 @!p0 $0x18  }
0xd: {  	s14 =	sadd.s32 $0x600, s3;
	s7 =	sadd.s32 s7, s16;
	s20 =	simm.s32 $0x9  }
0xe: {  	p0 =	sne.s32 s22, $0x1F;
	s13 =	sadd.s32 s17, s9;
	s15 =	smax.u32 s15, $0x1  }
0xf: {  	s29 =	sadd.s32 s17, s7;
	s21 =	sshll.u32 s13, $0xB;
	s9 =	sshll.u32 s13, $0x7  }
0x10: {  	s23 =	sshll.u32 s13, $0x4;
	s18 =	sadd.s32 $0x2, s13;
	s13 =	sadd.s32 $0x186800, s0  }
0x11: {  	s17 =	sshll.u32 s29, $0x4;
	s3 =	sshll.u32 s29, $0xB;
	s8 =	sadd.s32 s0, s21  }
0x12: {  	s11 =	sadd.s32 $0x80, s9;
	s9 =	sadd.s32 $0xFFFFFFFF, s6;
	s19 =	sshll.u32 s18, $0xB  }
0x13: {  	s30 =	sshll.u32 s18, $0x4;
	s31 =	sadd.s32 s1, s17;
	s21 =	simm.s32 $0x10000  }
0x14: {  	[dreg:$0x6] =	wrdreg s8;
	s8 =	sadd.s32 s1, s23;
	s10 =	sshll.u32 s11, $0x4  }
0x15: {  	s11 =	sshrl.u32 s11, $0x3;
	s12 =	sand.u32 $0x3, s9;
	s26 =	sand.u32 $0x1FFFF800, s19  }
0x16: {  	s7 =	sand.u32 $0x1FFFFFF0, s30;
	s18 =	sadd.s32 $0x30, s31;
	[dreg:$0x7] =	wrdreg s8  }
0x17: {  	s24 =	sadd.s32 s0, s10;
	s11 =	sadd.s32 s1, s11;
	s12 =	sadd.s32 $0x5, s12  }
0x18: {  	s16 =	sadd.s32 s0, s26;
	s0 =	sadd.s32 s0, s3;
	s17 =	sadd.s32 s1, s7  }
0x19: {  	v0 =	vimm.f32 $0.0e+00;
	s26 =	simm.s32 $0x1;
	[dreg:$0x8] =	wrdreg s24;
	s19 =	sadd.s32 $0x1800, s0  }
.LBB2_1:
0x1a: {  	s0 =	simm.s32 $0x0;
	s1 =	simm.s32 $0x200  }
.LBB2_2:
0x1b: {  	p1 =	sne.s32 s1, $0x7E00;
	[tilespmem:s0+$0x70] =	vst v0  }
0x1c: {  	[tilespmem:s0+$0x0] =	vst v0  }
0x1d: {  	[tilespmem:s0+$0x10] =	vst v0  }
.Ltmp0:
0x1e: {  	[tilespmem:s0+$0x20] =	vst v0;
	(pc) =	sbr.rel @p1 .LBB2_2-.Ltmp0, $4  }
0x1f: {  	[tilespmem:s0+$0x30] =	vst v0  }
0x20: {  	[tilespmem:s0+$0x40] =	vst v0  }
0x21: {  	[tilespmem:s0+$0x50] =	vst v0  }
0x22: {  	[tilespmem:s0+$0x60] =	vst v0;
	s0 =	sshra.s32 s1, $0x2;
	s1 =	sadd.s32 $0x200, s1  }
0x23: {  	[tilespmem:s0+$0x70] =	vst v0  }
0x24: {  	[tilespmem:s0+$0x0] =	vst v0  }
0x25: {  	[tilespmem:s0+$0x10] =	vst v0  }
0x26: {  	[tilespmem:s0+$0x20] =	vst v0  }
0x27: {  	[tilespmem:s0+$0x30] =	vst v0  }
0x28: {  	[tilespmem:s0+$0x40] =	vst v0  }
0x29: {  	[tilespmem:s0+$0x50] =	vst v0  }
0x2a: {  	[tilespmem:s0+$0x60] =	vst v0;
	s0 =	simm.s32 $0x0  }
0x2b: {  	[spmem:s5] =	stream.linear.scatter [tilespmem:s0], [sflag:$0x9], $0x2000, $0x38;
	[tilespmem:$0x13280] =	vst v63  }
0x2c: {  	_ =	swait.ge [sflag:s20], $0x2000  }
0x2d: {  	[sflag:s20] =	ssyncset.done $0x0  }
0x2e: {  	[sflag:s20] =	ssyncadd.s32 $0xFFFFE000  }
0x2f: {  	[bflag:$0x0] =	sbarrier.arrive $0xFFFF  }
0x30: {  	s1 =	rddreg [dreg:$0x6]  }
0x31: {  	[tilespmem:s0], [sflag:$0x1] =	stream.linear.gather [hbm4b:s1+s0], $0x4000, $0x38;
	[tilespmem:$0x13280] =	vst v63  }
0x32: {  	s23 =	rddreg [dreg:$0x7]  }
0x33: {  	[tilespmem:s21], [sflag:$0x1] =	stream.linear.gather [hbm4b:s23+s0], $0x80, $0x38;
	[tilespmem:$0x13280] =	vst v63  }
0x34: {  	s3 =	simm.s32 $0x4000;
	s24 =	rddreg [dreg:$0x8]  }
0x35: {  	[tilespmem:s3], [sflag:$0x2] =	stream.linear.gather [hbm4b:s24+s0], $0x4000, $0x38;
	[tilespmem:$0x13280] =	vst v63  }
0x36: {  	s25 =	simm.s32 $0x10080  }
0x37: {  	[tilespmem:s25], [sflag:$0x2] =	stream.linear.gather [hbm4b:s11+s0], $0x80, $0x38;
	[tilespmem:$0x13280] =	vst v63  }
0x38: {  	s30 =	simm.s32 $0x8000  }
0x39: {  	[tilespmem:s30], [sflag:$0x3] =	stream.linear.gather [hbm4b:s16+s0], $0x4000, $0x38;
	[tilespmem:$0x13280] =	vst v63  }
0x3a: {  	s31 =	simm.s32 $0x10100  }
0x3b: {  	[tilespmem:s31], [sflag:$0x3] =	stream.linear.gather [hbm4b:s17+s0], $0x80, $0x38;
	[tilespmem:$0x13280] =	vst v63  }
0x3c: {  	_ =	swait.ge [sflag:s26], $0x4000  }
0x3d: {  	p3 =	sne.s32 s9, $0x1;
	[sflag:s26] =	ssyncset.done $0x0  }
.Ltmp1:
0x3e: {  	[sflag:s26] =	ssyncadd.s32 $0xFFFFC000;
	(pc) =	sbr.rel @!p3 .LBB2_4-.Ltmp1, $4  }
0x3f: {  	s29 =	simm.s32 $0x1;
	_ =	swait.ge [sflag:s26], $0x80  }
0x40: {  	p2 =	sle.u32 s6, $0x3;
	p1 =	por $0x0, $0x0;
	[sflag:s26] =	ssyncset.done $0x0  }
0x41: {  	s3 =	sand.u32 $0x3, s29;
	s24 =	simm.s32 $0x3;
	[sflag:s26] =	ssyncadd.s32 $0xFFFFFF80  }
0x42: {  	[spmem:s2] =	stream.indirect.scatter.add.f32 [tilespmem:s0], [sflag:$0x5], $0x80, s21, s28, $0xb8;
	[tilespmem:$0x13280] =	vst v63  }
0x43: {  	s0 =	sand.u32 @!p2 $0x3, s24;
	s1 =	simm.s32 @!p2 $0x0  }
0x44: {  	s7 =	sadd.s32 @!p2 $0x1, s0;
	s22 =	sshll.u32 @!p2 s0, $0xE;
	s0 =	sshll.u32 @!p2 s0, $0x7  }
0x45: {  	[tilespmem:s22], [sflag:s7] =	stream.linear.gather @!p2 [hbm4b:s19+s1], $0x4000, $0x38;
	[tilespmem:$0x13280] =	vst v63  }
0x46: {  	s23 =	sadd.s32 $0x1, s3;
	s0 =	sor.u32 @!p2 $0x10000, s0  }
0x47: {  	[tilespmem:s0], [sflag:s7] =	stream.linear.gather @!p2 [hbm4b:s18+s1], $0x80, $0x38;
	[tilespmem:$0x13280] =	vst v63  }
0x48: {  	p3 =	sne.s32 s9, $0x2;
	s30 =	sadd.s32 $0x10, s18;
	_ =	swait.ge [sflag:s23], $0x4000  }
0x49: {  	s31 =	sadd.s32 $0x800, s19;
	s25 =	simm.s32 $0x4;
	[sflag:s23] =	ssyncset.done $0x0  }
0x4a: {  	s8 =	sshll.u32 s3, $0x7;
	s24 =	simm.s32 $0x4;
	[sflag:s23] =	ssyncadd.s32 $0xFFFFC000  }
.Ltmp2:
0x4b: {  	p1 =	por $0x1, $0x1;
	_ =	swait.ge [sflag:s23], $0x80;
	(pc) =	sbr.rel @!p3 .LBB2_6-.Ltmp2, $4  }
0x4c: {  	s22 =	sadd.s32 $0x5, s3;
	s7 =	sand.u32 $0x3, s25;
	[sflag:s23] =	ssyncset.done $0x0  }
0x4d: {  	s0 =	simm.s32 $0x2;
	[sflag:s23] =	ssyncadd.s32 $0xFFFFFF80;
	s23 =	sadd.s32 $0x5, s7  }
0x4e: {  	s25 =	sshll.u32 s3, $0xE;
	p2 =	sle.u32 s6, $0x4;
	_ =	swait.ge [sflag:s23], $0x4000  }
0x4f: {  	s1 =	sand.u32 $0x3, s0;
	s7 =	sor.u32 $0x10000, s8;
	[sflag:s23] =	ssyncset.done $0x0  }
.LBB2_7:
0x50: {  	s3 =	sand.u32 @!p2 $0x3, s24;
	s8 =	simm.s32 @!p2 $0x0;
	[sflag:s23] =	ssyncadd.s32 $0xFFFFC000  }
0x51: {  	s23 =	smov.u32 s29;
	s29 =	smov.u32 s0;
	s10 =	smov.u32 s1  }
0x52: {  	[spmem:s2] =	stream.indirect.scatter.add.f32 [tilespmem:s25], [sflag:s22], $0x80, s7, s28, $0xb8;
	[tilespmem:$0x13280] =	vst v63  }
0x53: {  	s1 =	sadd.s32 @!p2 $0x1, s3;
	s7 =	sshll.u32 @!p2 s3, $0xE;
	s3 =	sshll.u32 @!p2 s3, $0x7  }
0x54: {  	[tilespmem:s7], [sflag:s1] =	stream.linear.gather @!p2 [hbm4b:s31+s8], $0x4000, $0x38;
	[tilespmem:$0x13280] =	vst v63  }
0x55: {  	s0 =	sadd.s32 $0x1, s0;
	s3 =	sor.u32 @!p2 $0x10000, s3;
	s7 =	sadd.s32 $0x1, s10  }
0x56: {  	[tilespmem:s3], [sflag:s1] =	stream.linear.gather @!p2 [hbm4b:s30+s8], $0x80, $0x38;
	[tilespmem:$0x13280] =	vst v63  }
0x57: {  	p3 =	sne.s32 s9, s0;
	s1 =	sand.u32 $0x3, s0;
	_ =	swait.ge [sflag:s7], $0x4000  }
0x58: {  	[sflag:s7] =	ssyncset.done $0x0  }
0x59: {  	s31 =	sadd.s32 $0x800, s31;
	s30 =	sadd.s32 $0x10, s30;
	[sflag:s7] =	ssyncadd.s32 $0xFFFFC000  }
.Ltmp3:
0x5a: {  	s3 =	sadd.s32 $0x4, s23;
	_ =	swait.ge [sflag:s7], $0x80;
	(pc) =	sbr.rel @p3 .LBB2_7-.Ltmp3, $4  }
0x5b: {  	s22 =	sadd.s32 $0x5, s10;
	s3 =	sand.u32 $0x3, s3;
	[sflag:s7] =	ssyncset.done $0x0  }
0x5c: {  	s8 =	sshll.u32 s10, $0x7;
	s23 =	sadd.s32 $0x5, s3;
	[sflag:s7] =	ssyncadd.s32 $0xFFFFFF80  }
0x5d: {  	s24 =	sadd.s32 $0x3, s29;
	s25 =	sshll.u32 s10, $0xE;
	_ =	swait.ge [sflag:s23], $0x4000  }
0x5e: {  	p2 =	sge.u32 s24, s6;
	s7 =	sor.u32 $0x10000, s8;
	[sflag:s23] =	ssyncset.done $0x0  }
0x5f: {  	s0 =	smov.u32 s29;
	s3 =	smov.u32 s1  }
.LBB2_9:
0x60: {  	s1 =	sand.u32 @!p2 $0x3, s24;
	s8 =	simm.s32 @!p2 $0x0;
	[sflag:s23] =	ssyncadd.s32 @p1 $0xFFFFC000  }
0x61: {  	[spmem:s2] =	stream.indirect.scatter.add.f32 @p1 [tilespmem:s25], [sflag:s22], $0x80, s7, s28, $0xb8;
	[tilespmem:$0x13280] =	vst v63  }
0x62: {  	s7 =	sadd.s32 @!p2 $0x1, s1;
	s10 =	sshll.u32 @!p2 s1, $0xE;
	s1 =	sshll.u32 @!p2 s1, $0x7  }
0x63: {  	[tilespmem:s10], [sflag:s7] =	stream.linear.gather @!p2 [hbm4b:s31+s8], $0x4000, $0x38;
	[tilespmem:$0x13280] =	vst v63  }
0x64: {  	s23 =	sadd.s32 $0x1, s3;
	s1 =	sor.u32 @!p2 $0x10000, s1  }
0x65: {  	[tilespmem:s1], [sflag:s7] =	stream.linear.gather @!p2 [hbm4b:s30+s8], $0x80, $0x38;
	[tilespmem:$0x13280] =	vst v63  }
0x66: {  	_ =	swait.ge [sflag:s23], $0x4000  }
0x67: {  	[sflag:s23] =	ssyncset.done $0x0  }
0x68: {  	[sflag:s23] =	ssyncadd.s32 $0xFFFFC000  }
0x69: {  	s0 =	sadd.s32 $0x4, s0;
	_ =	swait.ge [sflag:s23], $0x80  }
0x6a: {  	s0 =	sand.u32 $0x3, s0;
	[sflag:s23] =	ssyncset.done $0x0  }
0x6b: {  	s0 =	sadd.s32 $0x5, s0;
	[sflag:s23] =	ssyncadd.s32 $0xFFFFFF80  }
0x6c: {  	_ =	swait.ge [sflag:s0], $0x4000  }
0x6d: {  	s24 =	sadd.s32 $0x5, s3;
	s25 =	sshll.u32 s3, $0x7;
	[sflag:s0] =	ssyncset.done $0x0  }
0x6e: {  	s29 =	sshll.u32 s3, $0xE;
	s7 =	sor.u32 $0x10000, s25;
	[sflag:s0] =	ssyncadd.s32 $0xFFFFC000  }
0x6f: {  	[spmem:s2] =	stream.indirect.scatter.add.f32 [tilespmem:s29], [sflag:s24], $0x80, s7, s28, $0xb8;
	[tilespmem:$0x13280] =	vst v63  }
0x70: {  	_ =	swait.ge [sflag:s12], $0x4000  }
0x71: {  	s3 =	simm.s32 @!p0 $0x9;
	[sflag:s12] =	ssyncset.done $0x0  }
0x72: {  	s1 =	simm.s32 @!p0 $0x10200;
	s0 =	simm.s32 @!p0 $0x0;
	[sflag:s12] =	ssyncadd.s32 $0xFFFFC000  }
0x73: {  	[tilespmem:s1], [sflag:$0x9] =	stream.linear.gather @!p0 [hbm4b:s13+s0], $0x1000, $0x38;
	[tilespmem:$0x13280] =	vst v63  }
0x74: {  	_ =	swait.ge @!p0 [sflag:s3], $0x1000  }
0x75: {  	[sflag:s3] =	ssyncset.done @!p0 $0x0  }
0x76: {  	[sflag:s3] =	ssyncadd.s32 @!p0 $0xFFFFF000  }
0x77: {  	s7 =	simm.s32 @!p0 $0x11200;
	s8 =	rddreg [dreg:$0x2]  }
0x78: {  	[tilespmem:s7], [sflag:$0x9] =	stream.linear.gather @!p0 [hbm4b:s8+s0], $0x80, $0x38;
	[tilespmem:$0x13280] =	vst v63  }
0x79: {  	_ =	swait.ge @!p0 [sflag:s3], $0x80  }
0x7a: {  	[sflag:s3] =	ssyncset.done @!p0 $0x0  }
0x7b: {  	s0 =	simm.s32 @!p0 $0x20;
	[sflag:s3] =	ssyncadd.s32 @!p0 $0xFFFFFF80  }
0x7c: {  	[spmem:s2] =	stream.indirect.scatter.add.f32 @!p0 [tilespmem:s1], [sflag:$0x9], $0x80, s7, s0, $0xb8;
	[tilespmem:$0x13280] =	vst v63  }
0x7d: {  	_ =	swait.ge @!p0 [sflag:s3], $0x1000  }
0x7e: {  	s4 =	sadd.s32 $0x1, s4;
	s30 =	stileid.u32;
	[sflag:s3] =	ssyncset.done @!p0 $0x0  }
0x7f: {  	p1 =	sne.s32 s4, s15;
	s0 =	sshll.u32 s30, $0x6;
	[sflag:s3] =	ssyncadd.s32 @!p0 $0xFFFFF000  }
0x80: {  	s31 =	sshrl.u32 s5, $0x3;
	s0 =	sor.u32 $0x1C09, s0;
	[bflag:$0x0] =	sbarrier.arrive $0xFFFF  }
0x81: {  	[hbm:s14], [sflag:s0] =	dma.local [spmem:s31], $0x400  }
.Ltmp4:
0x82: {  	_ = 	snop;
	(pc) =	sbr.rel @p1 .LBB2_1-.Ltmp4, $4  }
.Ltmp5:
0x83: {  	_ = 	snop;
	(pc) =	sbr.rel @!p1 .LBB2_10-.Ltmp5, $4  }
0x84: {  	_ =	swait.ge [sflag:s20], $0x400  }
0x85: {  	[sflag:s20] =	ssyncset.done $0x0  }
0x86: {  	[sflag:s20] =	ssyncadd.s32 $0xFFFFFC00  }
0x87: {  	_ = 	snop  }
.LBB2_4:
.Ltmp6:
0x88: {  	(pc) =	sbr.rel .LBB2_9-.Ltmp6, $2  }
0x89: {  	_ =	sdelay $0x2  }
0x8a: {  	s31 =	smov.u32 s19;
	s30 =	smov.u32 s18  }
.LBB2_6:
.Ltmp7:
0x8b: {  	(pc) =	sbr.rel .LBB2_9-.Ltmp7, $2  }
0x8c: {  	_ =	sdelay $0x2  }
0x8d: {  	s0 =	simm.s32 $0x1;
	s3 =	smov.u32 s1  }
.LBB2_10:
0x8e: {  	_ =	sfence.sel $0x180000  }
0x8f: {  	[bflag:$0x0] =	sbarrier.arrive $0xFFFF  }
0x90: {  	_ =	strace $0x90000047  }
0x91: {  	s0 =	stileid.u32;
	[bflag:$0x2] =	sbarrier.arrive $0xFFFF  }
0x92: {  	p0 =	sne.s32 s0, $0x0;
	s0 =	rddreg [dreg:$0x5]  }
0x93: {  	s0 =	sadd.s32 @!p0 $0x100000, s0  }
0x94: {  	[sflag:s0] =	ssyncadd.tile.s32 @!p0 $0x1;
	_ =	shalt  }
.Lfunc_end2:
_tile_overlayer_lowered:
.L_overlay_start_2:
0x95: {  	(tag) =	ssettag $0x2  }
0x96: {  	s0 =	rddreg [dreg:$0x0];
	s2 =	stileid.u32  }
0x97: {  	s1 =	rddreg [dreg:$0x1];
	p0 =	sne.s32 s2, $0x0  }
0x98: {  	s3 =	rddreg [dreg:$0x2];
	[bflag:$0x3] =	sbarrier.arrive $0xFFFF;
	s2 =	simm.s32 @!p0 $0x1C09  }
0x99: {  	[timem:s3], [sflag:s2] =	dma.local @!p0 [hbm:s0], s1  }
0x9a: {  	s0 =	simm.s32 @!p0 $0x9  }
0x9b: {  	_ =	swait.ge @!p0 [sflag:s0], s1  }
0x9c: {  	s1 =	ssub.s32 @!p0 $0x0, s1;
	[sflag:s0] =	ssyncset.done @!p0 $0x0  }
0x9d: {  	[sflag:s0] =	ssyncadd.s32 @!p0 s1  }
0x9e: {  	[bflag:$0x3] =	sbarrier.arrive $0xFFFF  }
0x9f: {  	_ =	shalt  }

</sc_bundles>
